<compile_context>
chip_gen: v7x
topology: tpu7x:2x2x1
jax: 0.10.2.dev20260603
libtpu: 0.0.44.dev20260713+nightly
codegen_flags: <defaults>
</compile_context>

<pallas_src>
import jax
import jax.numpy as jnp
from jax.experimental import pallas as pl
from jax.experimental.pallas import tpu as pltpu
from jax.experimental.pallas import tpu_sc as plsc

_N = 100000
_D = 128
_B = 1000
_BP = 1024

_NC = 2
_NS = 16
_NW = _NC * _NS

_CH = 128
_NFULL = _N // _CH
_TAIL = _N - _NFULL * _CH
_TOFF = _NFULL * _CH
_MAXSTEP = (_NFULL + _NW - 1) // _NW
_WLONG = _NFULL - (_MAXSTEP - 1) * _NW
_RPS = _BP // _NS


def _sc_segsum_body(h_hbm, seg_hbm, sum_out, cnt_out,
                    idx_v, rows_v, ones_v, zsum_v, zcnt_v,
                    tidx_v, trows_v, ssum, scnt):
    cid = jax.lax.axis_index("c")
    sid = jax.lax.axis_index("s")
    wid = sid * _NC + cid

    def fill_ones(i, carry):
        ones_v[i // 8, pl.ds((i % 8) * 16, 16)] = jnp.ones((16,), jnp.float32)
        return carry
    jax.lax.fori_loop(0, _CH * 8, fill_ones, 0)

    def zero_sum(i, carry):
        zsum_v[i // 8, pl.ds((i % 8) * 16, 16)] = jnp.zeros((16,), jnp.float32)
        return carry
    jax.lax.fori_loop(0, _RPS * 8, zero_sum, 0)

    def zero_cnt(i, carry):
        zcnt_v[i // 8, pl.ds((i % 8) * 16, 16)] = jnp.zeros((16,), jnp.float32)
        return carry
    jax.lax.fori_loop(0, _RPS * 8, zero_cnt, 0)

    r0 = sid * _RPS
    pltpu.sync_copy(zsum_v, ssum.at[pl.ds(r0, _RPS), :])
    pltpu.sync_copy(zcnt_v, scnt.at[pl.ds(r0, _RPS), :])
    plsc.subcore_barrier()

    def step(j, carry):
        @pl.when((j < _MAXSTEP - 1) | (wid < _WLONG))
        def _():
            off = (wid + j * _NW) * _CH
            pltpu.sync_copy(seg_hbm.at[pl.ds(off, _CH)], idx_v)
            pltpu.sync_copy(h_hbm.at[pl.ds(off, _CH), :], rows_v)
            pltpu.sync_copy(rows_v, ssum.at[idx_v], add=True)
            pltpu.sync_copy(ones_v, scnt.at[idx_v], add=True)
        return carry
    jax.lax.fori_loop(0, _MAXSTEP, step, 0)

    @pl.when(wid == 0)
    def _tail():
        pltpu.sync_copy(seg_hbm.at[pl.ds(_TOFF, _TAIL)], tidx_v)
        pltpu.sync_copy(h_hbm.at[pl.ds(_TOFF, _TAIL), :], trows_v)
        pltpu.sync_copy(trows_v, ssum.at[tidx_v], add=True)
        pltpu.sync_copy(ones_v.at[pl.ds(0, _TAIL), :], scnt.at[tidx_v], add=True)

    plsc.subcore_barrier()
    pltpu.sync_copy(ssum.at[pl.ds(r0, _RPS), :],
                    sum_out.at[cid, pl.ds(r0, _RPS), :])
    pltpu.sync_copy(scnt.at[pl.ds(r0, _RPS), :],
                    cnt_out.at[cid, pl.ds(r0, _RPS), :])


_sc_segsum = pl.kernel(
    _sc_segsum_body,
    out_type=[
        jax.ShapeDtypeStruct((_NC, _BP, _D), jnp.float32),
        jax.ShapeDtypeStruct((_NC, _BP, _D), jnp.float32),
    ],
    mesh=plsc.VectorSubcoreMesh(core_axis_name="c", subcore_axis_name="s",
                                num_cores=_NC, num_subcores=_NS),
    scratch_types=[
        pltpu.VMEM((_CH,), jnp.int32),
        pltpu.VMEM((_CH, _D), jnp.float32),
        pltpu.VMEM((_CH, _D), jnp.float32),
        pltpu.VMEM((_RPS, _D), jnp.float32),
        pltpu.VMEM((_RPS, _D), jnp.float32),
        pltpu.VMEM((_TAIL,), jnp.int32),
        pltpu.VMEM((_TAIL, _D), jnp.float32),
        pltpu.VMEM_SHARED((_BP, _D), jnp.float32),
        pltpu.VMEM_SHARED((_BP, _D), jnp.float32),
    ],
)


def _table_kernel(s_ref, c_ref, wt_ref, pcol_ref, v_ref, vp_ref, wcol_ref):
    cntcol = jnp.maximum(c_ref[0, :, 0:1] + c_ref[1, :, 0:1], 1.0)
    mean = (s_ref[0] + s_ref[1]) / cntcol
    summary = jax.nn.sigmoid(mean)
    v = jnp.dot(summary, wt_ref[...],
                preferred_element_type=jnp.float32)
    v_ref[...] = v
    ids = jax.lax.broadcasted_iota(jnp.int32, (_BP, _BP), 1).astype(jnp.float32)
    pm = (pcol_ref[...] == ids).astype(jnp.float32)
    vp_ref[...] = jnp.dot(pm, v, preferred_element_type=jnp.float32)
    wcol_ref[...] = jnp.broadcast_to(1.0 / cntcol, (_BP, _D))


_TN = 4000
_GRID = _N // _TN


_NCK = 8
_CW = _BP // _NCK


def _loss_kernel(flags_ref, seg_ref, h_ref, vt_ref, vpt_ref, w_ref, b_ref,
                 out_ref, dp_ref, dn_ref, wn_ref):
    i = pl.program_id(0)

    @pl.when(i == 0)
    def _init():
        out_ref[...] = jnp.zeros_like(out_ref)

    dp_ref[...] = jnp.zeros_like(dp_ref)
    dn_ref[...] = jnp.zeros_like(dn_ref)
    wn_ref[...] = jnp.zeros_like(wn_ref)

    seg = seg_ref[0, 0, :]
    h_blk = h_ref[...]
    iotac = jax.lax.broadcasted_iota(jnp.int32, (_TN, _CW), 1)

    for jj in range(_NCK):
        @pl.when(flags_ref[i, jj] > 0)
        def _chunk(jj=jj):
            c0 = jj * _CW
            a = jnp.dot(h_blk, vt_ref[:, c0:c0 + _CW],
                        preferred_element_type=jnp.float32)
            an = jnp.dot(h_blk, vpt_ref[:, c0:c0 + _CW],
                         preferred_element_type=jnp.float32)
            ohc = ((iotac + c0) == seg[:, None]).astype(jnp.float32)
            dp_ref[...] += jnp.sum(a * ohc, axis=1, keepdims=True)
            dn_ref[...] += jnp.sum(an * ohc, axis=1, keepdims=True)
            wn_ref[...] += jnp.sum(ohc * w_ref[0:1, c0:c0 + _CW],
                                   axis=1, keepdims=True)

    b0 = b_ref[0]
    dp = dp_ref[...] + b0
    dn = dn_ref[...] + b0
    wn = wn_ref[...]

    def softplus(x):
        return jnp.maximum(x, 0.0) + jnp.log1p(jnp.exp(-jnp.abs(x)))

    out_ref[...] += jnp.sum(wn * (softplus(dp) - dp + softplus(dn)))


def kernel(h, W, b, segment_ids, perm):
    seg32 = segment_ids.astype(jnp.int32)

    sums2, cnts2 = _sc_segsum(h, seg32)

    permcol = jnp.concatenate(
        [perm.astype(jnp.float32),
         jnp.full((_BP - _B,), float(_B), jnp.float32)]).reshape(_BP, 1)

    v, vperm, wcol = pl.pallas_call(
        _table_kernel,
        in_specs=[
            pl.BlockSpec((_NC, _BP, _D), lambda: (0, 0, 0)),
            pl.BlockSpec((_NC, _BP, _D), lambda: (0, 0, 0)),
            pl.BlockSpec((_D, _D), lambda: (0, 0)),
            pl.BlockSpec((_BP, 1), lambda: (0, 0)),
        ],
        out_specs=[
            pl.BlockSpec((_BP, _D), lambda: (0, 0)),
            pl.BlockSpec((_BP, _D), lambda: (0, 0)),
            pl.BlockSpec((_BP, _D), lambda: (0, 0)),
        ],
        out_shape=[
            jax.ShapeDtypeStruct((_BP, _D), jnp.float32),
            jax.ShapeDtypeStruct((_BP, _D), jnp.float32),
            jax.ShapeDtypeStruct((_BP, _D), jnp.float32),
        ],
    )(sums2, cnts2, W.T, permcol)

    vt = v.T
    vpt = vperm.T
    wrow = jnp.broadcast_to(wcol[:, 0][None, :], (8, _BP))

    segb = seg32.reshape(_GRID, _TN)
    lo = segb.min(axis=1)
    hi = segb.max(axis=1)
    ck = jnp.arange(_NCK, dtype=jnp.int32)
    flags = ((hi[:, None] >= ck[None, :] * _CW)
             & (lo[:, None] <= ck[None, :] * _CW + (_CW - 1))).astype(jnp.int32)

    seg3 = seg32.reshape(_GRID, 1, _TN)
    loss = pl.pallas_call(
        _loss_kernel,
        grid=(_GRID,),
        in_specs=[
            pl.BlockSpec(memory_space=pltpu.SMEM),
            pl.BlockSpec((1, 1, _TN), lambda i: (i, 0, 0)),
            pl.BlockSpec((_TN, _D), lambda i: (i, 0)),
            pl.BlockSpec((_D, _BP), lambda i: (0, 0)),
            pl.BlockSpec((_D, _BP), lambda i: (0, 0)),
            pl.BlockSpec((8, _BP), lambda i: (0, 0)),
            pl.BlockSpec(memory_space=pltpu.SMEM),
        ],
        out_specs=pl.BlockSpec((1, 1), lambda i: (0, 0)),
        out_shape=jax.ShapeDtypeStruct((1, 1), jnp.float32),
        scratch_shapes=[
            pltpu.VMEM((_TN, 1), jnp.float32),
            pltpu.VMEM((_TN, 1), jnp.float32),
            pltpu.VMEM((_TN, 1), jnp.float32),
        ],
    )(flags, seg3, h, vt, vpt, wrow, b)

    return loss[0, 0]

# --- scband reference (transcript-rebuilt; emitter-appended) ---
"""Pipeline reference for scband-dgigc-24000277250368 (READ-ONLY COPY).

The authoritative reference and input builder live on the scoring server;
editing this copy changes nothing except your own understanding.
"""

import jax, jax.numpy as jnp
import numpy as np

N = 100000
D = 128
B = 1000

def setup_inputs(seed: int = 0) -> dict:
    key = jax.random.key(seed)
    k1, k2, k3, k4 = jax.random.split(key, 4)
    h = jax.random.normal(k1, (N, D), dtype=jnp.float32)
    segment_ids = jnp.sort(jax.random.randint(k2, (N,), 0, B)).astype(jnp.int64)
    perm = jax.random.permutation(k3, B).astype(jnp.int64)
    # Bilinear discriminator params: weight [D, D] (out_features=1), xavier-uniform, bias zero
    limit = float(np.sqrt(6.0 / (D + D)))
    W = jax.random.uniform(k4, (D, D), dtype=jnp.float32, minval=-limit, maxval=limit)
    b = jnp.zeros((1,), dtype=jnp.float32)
    return {"h": h, "W": W, "b": b, "segment_ids": segment_ids, "perm": perm}

def reference(h, W, b, segment_ids, perm):
    # encoder modeled as identity: positive = encoder(graph, features) = features
    # (note: in the original module, `negative` is computed but never used in the loss)
    counts = jnp.maximum(jnp.bincount(segment_ids, length=B), 1).astype(h.dtype)
    seg_mean = jax.ops.segment_sum(h, segment_ids, num_segments=B) / counts[:, None]
    summary = jax.nn.sigmoid(seg_mean)                      # [B, D]
    permuted_summary = summary[perm]                        # [B, D]
    c_pos = summary[segment_ids]                            # broadcast summary to nodes (reverse_ptrs gather)
    c_neg = permuted_summary[segment_ids]
    def bilinear(x, c):
        return jnp.einsum('nd,de,ne->n', x, W, c) + b[0]
    d_positive = bilinear(h, c_pos)                         # [N]
    d_negative = bilinear(h, c_neg)                         # [N]
    def bce_logits(x, y):
        return jnp.logaddexp(0.0, x) - x * y
    l1_node = bce_logits(d_positive, jnp.ones_like(d_positive))
    l2_node = bce_logits(d_negative, jnp.zeros_like(d_negative))
    l1 = (jax.ops.segment_sum(l1_node, segment_ids, num_segments=B) / counts).sum()
    l2 = (jax.ops.segment_sum(l2_node, segment_ids, num_segments=B) / counts).sum()
    return l1 + l2

if __name__ == "__main__":
    import jax
    _d = setup_inputs()
    print(jax.jit(kernel)(*tuple(_d.values())))

</pallas_src>

<mosaic_0001>
#map = affine_map<(d0, d1) -> (0, 0)>
#map1 = affine_map<(d0, d1) -> (0)>
#map2 = affine_map<(d0, d1) -> (0, 0, 0)>
module attributes {stable_mosaic.version = 14 : i64} {
  func.func @_sc_segsum_body(%arg0: i32, %arg1: i32, %arg2: memref<100000x128xf32, #tpu.memory_space<hbm>>, %arg3: memref<100000xi32, #tpu.memory_space<hbm>>, %arg4: memref<2x1024x128xf32, #tpu.memory_space<hbm>>, %arg5: memref<2x1024x128xf32, #tpu.memory_space<hbm>>, %arg6: memref<128xi32, #tpu.memory_space<vmem>>, %arg7: memref<128x128xf32, #tpu.memory_space<vmem>>, %arg8: memref<128x128xf32, #tpu.memory_space<vmem>>, %arg9: memref<64x128xf32, #tpu.memory_space<vmem>>, %arg10: memref<64x128xf32, #tpu.memory_space<vmem>>, %arg11: memref<32xi32, #tpu.memory_space<vmem>>, %arg12: memref<32x128xf32, #tpu.memory_space<vmem>>, %arg13: memref<1024x128xf32, #tpu.memory_space<vmem_shared>>, %arg14: memref<1024x128xf32, #tpu.memory_space<vmem_shared>>) attributes {dimension_semantics = [#tpu.dimension_semantics<core_parallel>, #tpu.dimension_semantics<subcore_parallel>], iteration_bounds = array<i64: 2, 16>, scalar_prefetch = 0 : i64, scratch_operands = 9 : i64, tpu.core_type = #tpu.core_type<sc_vector_subcore>, window_params = [{transform_indices = #map}, {transform_indices = #map1}, {transform_indices = #map2}, {transform_indices = #map2}]} {
    %mul3A = arith.constant 2 : i32
    %mul3A_0 = arith.muli %arg1, %mul3A : i32
    %add3A = arith.addi %mul3A_0, %arg0 : i32
    %scan3A = arith.constant 0 : i32
    %scan3A_1 = arith.constant 0 : i32
    %scan3A_2 = arith.constant 1024 : i32
    %scan3A_3 = arith.addi %scan3A_1, %scan3A_2 : i32
    %scan3A_4 = arith.constant 1 : i32
    scf.for %scan3A_29 = %scan3A_1 to %scan3A_3 step %scan3A_4  : i32 {
      %broadcast_in_dim3A = arith.constant 1.000000e+00 : f32
      %broadcast_in_dim3A_30 = vector.broadcast %broadcast_in_dim3A : f32 to vector<16xf32>
      %jit3A = arith.constant 8 : i32
      %div3A = arith.divsi %scan3A_29, %jit3A : i32
      %sign3A = arith.constant 0 : i32
      %sign3A_31 = arith.cmpi sgt, %scan3A_29, %sign3A : i32
      %sign3A_32 = arith.extui %sign3A_31 : i1 to i32
      %sign3A_33 = arith.constant 0 : i32
      %sign3A_34 = arith.cmpi slt, %scan3A_29, %sign3A_33 : i32
      %sign3A_35 = arith.extui %sign3A_34 : i1 to i32
      %sign3A_36 = arith.subi %sign3A_32, %sign3A_35 : i32
      %sign3A_37 = arith.constant 0 : i32
      %sign3A_38 = arith.cmpi sgt, %jit3A, %sign3A_37 : i32
      %sign3A_39 = arith.extui %sign3A_38 : i1 to i32
      %sign3A_40 = arith.constant 0 : i32
      %sign3A_41 = arith.cmpi slt, %jit3A, %sign3A_40 : i32
      %sign3A_42 = arith.extui %sign3A_41 : i1 to i32
      %sign3A_43 = arith.subi %sign3A_39, %sign3A_42 : i32
      %ne3A = arith.cmpi ne, %sign3A_36, %sign3A_43 : i32
      %rem3A = arith.remsi %scan3A_29, %jit3A : i32
      %ne3A_44 = arith.constant 0 : i32
      %ne3A_45 = arith.cmpi ne, %rem3A, %ne3A_44 : i32
      %and3A = arith.andi %ne3A, %ne3A_45 : i1
      %sub3A = arith.constant 1 : i32
      %sub3A_46 = arith.subi %div3A, %sub3A : i32
      %select_n3A = arith.select %and3A, %sub3A_46, %div3A : i32
      %jit3A_47 = arith.constant 8 : i32
      %eq3A_48 = arith.constant 0 : i32
      %eq3A_49 = arith.cmpi eq, %jit3A_47, %eq3A_48 : i32
      %jit3A_50 = arith.constant 1 : i32
      %select_n3A_51 = arith.select %eq3A_49, %jit3A_50, %jit3A_47 : i32
      %rem3A_52 = arith.remsi %scan3A_29, %select_n3A_51 : i32
      %ne3A_53 = arith.constant 0 : i32
      %ne3A_54 = arith.cmpi ne, %rem3A_52, %ne3A_53 : i32
      %lt3A = arith.constant 0 : i32
      %lt3A_55 = arith.cmpi slt, %rem3A_52, %lt3A : i32
      %lt3A_56 = arith.constant 0 : i32
      %lt3A_57 = arith.cmpi slt, %select_n3A_51, %lt3A_56 : i32
      %ne3A_58 = arith.xori %lt3A_55, %lt3A_57 : i1
      %and3A_59 = arith.andi %ne3A_58, %ne3A_54 : i1
      %add3A_60 = arith.addi %rem3A_52, %select_n3A_51 : i32
      %select_n3A_61 = arith.select %and3A_59, %add3A_60, %rem3A_52 : i32
      %mul3A_62 = arith.constant 16 : i32
      %mul3A_63 = arith.muli %select_n3A_61, %mul3A_62 : i32
      %swap3A = arith.index_cast %select_n3A : i32 to index
      %swap3A_64 = arith.index_cast %mul3A_63 : i32 to index
      %swap3A_65 = tpu.vector_load %arg8[%swap3A, %swap3A_64] {strides = array<i32>} : memref<128x128xf32, #tpu.memory_space<vmem>>, vector<1x16xf32>,
      %swap3A_66 = vector.shape_cast %swap3A_65 : vector<1x16xf32> to vector<16xf32>
      %swap3A_67 = vector.shape_cast %broadcast_in_dim3A_30 : vector<16xf32> to vector<1x16xf32>
      tpu.vector_store %arg8[%swap3A, %swap3A_64], %swap3A_67 {strides = array<i32>} : memref<128x128xf32, #tpu.memory_space<vmem>>, vector<1x16xf32>,
    }
    %scan3A_5 = arith.constant 1024 : i32
    %scan3A_6 = arith.constant 0 : i32
    %scan3A_7 = arith.constant 0 : i32
    %scan3A_8 = arith.constant 512 : i32
    %scan3A_9 = arith.addi %scan3A_7, %scan3A_8 : i32
    %scan3A_10 = arith.constant 1 : i32
    scf.for %scan3A_29 = %scan3A_7 to %scan3A_9 step %scan3A_10  : i32 {
      %broadcast_in_dim3A = arith.constant 0.000000e+00 : f32
      %broadcast_in_dim3A_30 = vector.broadcast %broadcast_in_dim3A : f32 to vector<16xf32>
      %jit3A = arith.constant 8 : i32
      %div3A = arith.divsi %scan3A_29, %jit3A : i32
      %sign3A = arith.constant 0 : i32
      %sign3A_31 = arith.cmpi sgt, %scan3A_29, %sign3A : i32
      %sign3A_32 = arith.extui %sign3A_31 : i1 to i32
      %sign3A_33 = arith.constant 0 : i32
      %sign3A_34 = arith.cmpi slt, %scan3A_29, %sign3A_33 : i32
      %sign3A_35 = arith.extui %sign3A_34 : i1 to i32
      %sign3A_36 = arith.subi %sign3A_32, %sign3A_35 : i32
      %sign3A_37 = arith.constant 0 : i32
      %sign3A_38 = arith.cmpi sgt, %jit3A, %sign3A_37 : i32
      %sign3A_39 = arith.extui %sign3A_38 : i1 to i32
      %sign3A_40 = arith.constant 0 : i32
      %sign3A_41 = arith.cmpi slt, %jit3A, %sign3A_40 : i32
      %sign3A_42 = arith.extui %sign3A_41 : i1 to i32
      %sign3A_43 = arith.subi %sign3A_39, %sign3A_42 : i32
      %ne3A = arith.cmpi ne, %sign3A_36, %sign3A_43 : i32
      %rem3A = arith.remsi %scan3A_29, %jit3A : i32
      %ne3A_44 = arith.constant 0 : i32
      %ne3A_45 = arith.cmpi ne, %rem3A, %ne3A_44 : i32
      %and3A = arith.andi %ne3A, %ne3A_45 : i1
      %sub3A = arith.constant 1 : i32
      %sub3A_46 = arith.subi %div3A, %sub3A : i32
      %select_n3A = arith.select %and3A, %sub3A_46, %div3A : i32
      %jit3A_47 = arith.constant 8 : i32
      %eq3A_48 = arith.constant 0 : i32
      %eq3A_49 = arith.cmpi eq, %jit3A_47, %eq3A_48 : i32
      %jit3A_50 = arith.constant 1 : i32
      %select_n3A_51 = arith.select %eq3A_49, %jit3A_50, %jit3A_47 : i32
      %rem3A_52 = arith.remsi %scan3A_29, %select_n3A_51 : i32
      %ne3A_53 = arith.constant 0 : i32
      %ne3A_54 = arith.cmpi ne, %rem3A_52, %ne3A_53 : i32
      %lt3A = arith.constant 0 : i32
      %lt3A_55 = arith.cmpi slt, %rem3A_52, %lt3A : i32
      %lt3A_56 = arith.constant 0 : i32
      %lt3A_57 = arith.cmpi slt, %select_n3A_51, %lt3A_56 : i32
      %ne3A_58 = arith.xori %lt3A_55, %lt3A_57 : i1
      %and3A_59 = arith.andi %ne3A_58, %ne3A_54 : i1
      %add3A_60 = arith.addi %rem3A_52, %select_n3A_51 : i32
      %select_n3A_61 = arith.select %and3A_59, %add3A_60, %rem3A_52 : i32
      %mul3A_62 = arith.constant 16 : i32
      %mul3A_63 = arith.muli %select_n3A_61, %mul3A_62 : i32
      %swap3A = arith.index_cast %select_n3A : i32 to index
      %swap3A_64 = arith.index_cast %mul3A_63 : i32 to index
      %swap3A_65 = tpu.vector_load %arg9[%swap3A, %swap3A_64] {strides = array<i32>} : memref<64x128xf32, #tpu.memory_space<vmem>>, vector<1x16xf32>,
      %swap3A_66 = vector.shape_cast %swap3A_65 : vector<1x16xf32> to vector<16xf32>
      %swap3A_67 = vector.shape_cast %broadcast_in_dim3A_30 : vector<16xf32> to vector<1x16xf32>
      tpu.vector_store %arg9[%swap3A, %swap3A_64], %swap3A_67 {strides = array<i32>} : memref<64x128xf32, #tpu.memory_space<vmem>>, vector<1x16xf32>,
    }
    %scan3A_11 = arith.constant 512 : i32
    %scan3A_12 = arith.constant 0 : i32
    %scan3A_13 = arith.constant 0 : i32
    %scan3A_14 = arith.constant 512 : i32
    %scan3A_15 = arith.addi %scan3A_13, %scan3A_14 : i32
    %scan3A_16 = arith.constant 1 : i32
    scf.for %scan3A_29 = %scan3A_13 to %scan3A_15 step %scan3A_16  : i32 {
      %broadcast_in_dim3A = arith.constant 0.000000e+00 : f32
      %broadcast_in_dim3A_30 = vector.broadcast %broadcast_in_dim3A : f32 to vector<16xf32>
      %jit3A = arith.constant 8 : i32
      %div3A = arith.divsi %scan3A_29, %jit3A : i32
      %sign3A = arith.constant 0 : i32
      %sign3A_31 = arith.cmpi sgt, %scan3A_29, %sign3A : i32
      %sign3A_32 = arith.extui %sign3A_31 : i1 to i32
      %sign3A_33 = arith.constant 0 : i32
      %sign3A_34 = arith.cmpi slt, %scan3A_29, %sign3A_33 : i32
      %sign3A_35 = arith.extui %sign3A_34 : i1 to i32
      %sign3A_36 = arith.subi %sign3A_32, %sign3A_35 : i32
      %sign3A_37 = arith.constant 0 : i32
      %sign3A_38 = arith.cmpi sgt, %jit3A, %sign3A_37 : i32
      %sign3A_39 = arith.extui %sign3A_38 : i1 to i32
      %sign3A_40 = arith.constant 0 : i32
      %sign3A_41 = arith.cmpi slt, %jit3A, %sign3A_40 : i32
      %sign3A_42 = arith.extui %sign3A_41 : i1 to i32
      %sign3A_43 = arith.subi %sign3A_39, %sign3A_42 : i32
      %ne3A = arith.cmpi ne, %sign3A_36, %sign3A_43 : i32
      %rem3A = arith.remsi %scan3A_29, %jit3A : i32
      %ne3A_44 = arith.constant 0 : i32
      %ne3A_45 = arith.cmpi ne, %rem3A, %ne3A_44 : i32
      %and3A = arith.andi %ne3A, %ne3A_45 : i1
      %sub3A = arith.constant 1 : i32
      %sub3A_46 = arith.subi %div3A, %sub3A : i32
      %select_n3A = arith.select %and3A, %sub3A_46, %div3A : i32
      %jit3A_47 = arith.constant 8 : i32
      %eq3A_48 = arith.constant 0 : i32
      %eq3A_49 = arith.cmpi eq, %jit3A_47, %eq3A_48 : i32
      %jit3A_50 = arith.constant 1 : i32
      %select_n3A_51 = arith.select %eq3A_49, %jit3A_50, %jit3A_47 : i32
      %rem3A_52 = arith.remsi %scan3A_29, %select_n3A_51 : i32
      %ne3A_53 = arith.constant 0 : i32
      %ne3A_54 = arith.cmpi ne, %rem3A_52, %ne3A_53 : i32
      %lt3A = arith.constant 0 : i32
      %lt3A_55 = arith.cmpi slt, %rem3A_52, %lt3A : i32
      %lt3A_56 = arith.constant 0 : i32
      %lt3A_57 = arith.cmpi slt, %select_n3A_51, %lt3A_56 : i32
      %ne3A_58 = arith.xori %lt3A_55, %lt3A_57 : i1
      %and3A_59 = arith.andi %ne3A_58, %ne3A_54 : i1
      %add3A_60 = arith.addi %rem3A_52, %select_n3A_51 : i32
      %select_n3A_61 = arith.select %and3A_59, %add3A_60, %rem3A_52 : i32
      %mul3A_62 = arith.constant 16 : i32
      %mul3A_63 = arith.muli %select_n3A_61, %mul3A_62 : i32
      %swap3A = arith.index_cast %select_n3A : i32 to index
      %swap3A_64 = arith.index_cast %mul3A_63 : i32 to index
      %swap3A_65 = tpu.vector_load %arg10[%swap3A, %swap3A_64] {strides = array<i32>} : memref<64x128xf32, #tpu.memory_space<vmem>>, vector<1x16xf32>,
      %swap3A_66 = vector.shape_cast %swap3A_65 : vector<1x16xf32> to vector<16xf32>
      %swap3A_67 = vector.shape_cast %broadcast_in_dim3A_30 : vector<16xf32> to vector<1x16xf32>
      tpu.vector_store %arg10[%swap3A, %swap3A_64], %swap3A_67 {strides = array<i32>} : memref<64x128xf32, #tpu.memory_space<vmem>>, vector<1x16xf32>,
    }
    %scan3A_17 = arith.constant 512 : i32
    %mul3A_18 = arith.constant 64 : i32
    %mul3A_19 = arith.muli %arg1, %mul3A_18 : i32
    "tpu.region"() ({
      %run_scoped3A = tpu.sem_alloc : memref<!tpu.dma_semaphore, #tpu.memory_space<semaphore_mem>>
      %dma_start3A = arith.constant 0 : i32
      %dma_start3A_29 = tpu.memref_slice %arg13[%mul3A_19, %dma_start3A] : memref<1024x128xf32, #tpu.memory_space<vmem_shared>> -> memref<64x128xf32, #tpu.memory_space<vmem_shared>>
      %dma_start3A_30 = arith.constant 0 : i32
      %dma_start3A_31 = tpu.memref_slice %arg13[%mul3A_19, %dma_start3A_30] : memref<1024x128xf32, #tpu.memory_space<vmem_shared>> -> memref<64x128xf32, #tpu.memory_space<vmem_shared>>
      tpu.enqueue_dma source(%arg9 : memref<64x128xf32, #tpu.memory_space<vmem>>) target(%dma_start3A_31 : memref<64x128xf32, #tpu.memory_space<vmem_shared>>) target_semaphore(%run_scoped3A : memref<!tpu.dma_semaphore, #tpu.memory_space<semaphore_mem>>)
      %dma_wait3A = arith.constant 0 : i32
      %dma_wait3A_32 = tpu.memref_slice %arg13[%mul3A_19, %dma_wait3A] : memref<1024x128xf32, #tpu.memory_space<vmem_shared>> -> memref<64x128xf32, #tpu.memory_space<vmem_shared>>
      %dma_wait3A_33 = arith.constant 0 : i32
      %dma_wait3A_34 = tpu.memref_slice %arg13[%mul3A_19, %dma_wait3A_33] : memref<1024x128xf32, #tpu.memory_space<vmem_shared>> -> memref<64x128xf32, #tpu.memory_space<vmem_shared>>
      tpu.wait_dma2 semaphore(%run_scoped3A : memref<!tpu.dma_semaphore, #tpu.memory_space<semaphore_mem>>) src(%arg9 : memref<64x128xf32, #tpu.memory_space<vmem>>) dst(%dma_wait3A_34 : memref<64x128xf32, #tpu.memory_space<vmem_shared>>)
      tpu.yield
    }) : () -> ()
    "tpu.region"() ({
      %run_scoped3A = tpu.sem_alloc : memref<!tpu.dma_semaphore, #tpu.memory_space<semaphore_mem>>
      %dma_start3A = arith.constant 0 : i32
      %dma_start3A_29 = tpu.memref_slice %arg14[%mul3A_19, %dma_start3A] : memref<1024x128xf32, #tpu.memory_space<vmem_shared>> -> memref<64x128xf32, #tpu.memory_space<vmem_shared>>
      %dma_start3A_30 = arith.constant 0 : i32
      %dma_start3A_31 = tpu.memref_slice %arg14[%mul3A_19, %dma_start3A_30] : memref<1024x128xf32, #tpu.memory_space<vmem_shared>> -> memref<64x128xf32, #tpu.memory_space<vmem_shared>>
      tpu.enqueue_dma source(%arg10 : memref<64x128xf32, #tpu.memory_space<vmem>>) target(%dma_start3A_31 : memref<64x128xf32, #tpu.memory_space<vmem_shared>>) target_semaphore(%run_scoped3A : memref<!tpu.dma_semaphore, #tpu.memory_space<semaphore_mem>>)
      %dma_wait3A = arith.constant 0 : i32
      %dma_wait3A_32 = tpu.memref_slice %arg14[%mul3A_19, %dma_wait3A] : memref<1024x128xf32, #tpu.memory_space<vmem_shared>> -> memref<64x128xf32, #tpu.memory_space<vmem_shared>>
      %dma_wait3A_33 = arith.constant 0 : i32
      %dma_wait3A_34 = tpu.memref_slice %arg14[%mul3A_19, %dma_wait3A_33] : memref<1024x128xf32, #tpu.memory_space<vmem_shared>> -> memref<64x128xf32, #tpu.memory_space<vmem_shared>>
      tpu.wait_dma2 semaphore(%run_scoped3A : memref<!tpu.dma_semaphore, #tpu.memory_space<semaphore_mem>>) src(%arg10 : memref<64x128xf32, #tpu.memory_space<vmem>>) dst(%dma_wait3A_34 : memref<64x128xf32, #tpu.memory_space<vmem_shared>>)
      tpu.yield
    }) : () -> ()
    %barrier3A = arith.constant 0 : index
    tpu.barrier barrier_id(%barrier3A)
    %scan3A_20 = arith.constant 0 : i32
    %scan3A_21 = arith.constant 0 : i32
    %scan3A_22 = arith.constant 25 : i32
    %scan3A_23 = arith.addi %scan3A_21, %scan3A_22 : i32
    %scan3A_24 = arith.constant 1 : i32
    scf.for %scan3A_29 = %scan3A_21 to %scan3A_23 step %scan3A_24  : i32 {
      %lt3A = arith.constant 24 : i32
      %lt3A_30 = arith.cmpi slt, %scan3A_29, %lt3A : i32
      %lt3A_31 = arith.constant 13 : i32
      %lt3A_32 = arith.cmpi slt, %add3A, %lt3A_31 : i32
      %or3A = arith.ori %lt3A_30, %lt3A_32 : i1
      %convert_element_type3A_33 = arith.extui %or3A : i1 to i32
      %cond3A_34 = arith.constant 0 : i32
      %cond3A_35 = arith.cmpi ne, %convert_element_type3A_33, %cond3A_34 : i32
      scf.if %cond3A_35 {
        %mul3A_36 = arith.constant 32 : i32
        %mul3A_37 = arith.muli %scan3A_29, %mul3A_36 : i32
        %add3A_38 = arith.addi %add3A, %mul3A_37 : i32
        %mul3A_39 = arith.constant 128 : i32
        %mul3A_40 = arith.muli %add3A_38, %mul3A_39 : i32
        "tpu.region"() ({
          %run_scoped3A = tpu.sem_alloc : memref<!tpu.dma_semaphore, #tpu.memory_space<semaphore_mem>>
          %dma_start3A = tpu.memref_slice %arg3[%mul3A_40] : memref<100000xi32, #tpu.memory_space<hbm>> -> memref<128xi32, #tpu.memory_space<hbm>>
          %dma_start3A_41 = tpu.memref_slice %arg3[%mul3A_40] : memref<100000xi32, #tpu.memory_space<hbm>> -> memref<128xi32, #tpu.memory_space<hbm>>
          tpu.enqueue_dma source(%dma_start3A_41 : memref<128xi32, #tpu.memory_space<hbm>>) target(%arg6 : memref<128xi32, #tpu.memory_space<vmem>>) target_semaphore(%run_scoped3A : memref<!tpu.dma_semaphore, #tpu.memory_space<semaphore_mem>>)
          %dma_wait3A = tpu.memref_slice %arg3[%mul3A_40] : memref<100000xi32, #tpu.memory_space<hbm>> -> memref<128xi32, #tpu.memory_space<hbm>>
          %dma_wait3A_42 = tpu.memref_slice %arg3[%mul3A_40] : memref<100000xi32, #tpu.memory_space<hbm>> -> memref<128xi32, #tpu.memory_space<hbm>>
          tpu.wait_dma2 semaphore(%run_scoped3A : memref<!tpu.dma_semaphore, #tpu.memory_space<semaphore_mem>>) src(%dma_wait3A_42 : memref<128xi32, #tpu.memory_space<hbm>>) dst(%arg6 : memref<128xi32, #tpu.memory_space<vmem>>)
          tpu.yield
        }) : () -> ()
        "tpu.region"() ({
          %run_scoped3A = tpu.sem_alloc : memref<!tpu.dma_semaphore, #tpu.memory_space<semaphore_mem>>
          %dma_start3A = arith.constant 0 : i32
          %dma_start3A_41 = tpu.memref_slice %arg2[%mul3A_40, %dma_start3A] : memref<100000x128xf32, #tpu.memory_space<hbm>> -> memref<128x128xf32, #tpu.memory_space<hbm>>
          %dma_start3A_42 = arith.constant 0 : i32
          %dma_start3A_43 = tpu.memref_slice %arg2[%mul3A_40, %dma_start3A_42] : memref<100000x128xf32, #tpu.memory_space<hbm>> -> memref<128x128xf32, #tpu.memory_space<hbm>>
          tpu.enqueue_dma source(%dma_start3A_43 : memref<128x128xf32, #tpu.memory_space<hbm>>) target(%arg7 : memref<128x128xf32, #tpu.memory_space<vmem>>) target_semaphore(%run_scoped3A : memref<!tpu.dma_semaphore, #tpu.memory_space<semaphore_mem>>)
          %dma_wait3A = arith.constant 0 : i32
          %dma_wait3A_44 = tpu.memref_slice %arg2[%mul3A_40, %dma_wait3A] : memref<100000x128xf32, #tpu.memory_space<hbm>> -> memref<128x128xf32, #tpu.memory_space<hbm>>
          %dma_wait3A_45 = arith.constant 0 : i32
          %dma_wait3A_46 = tpu.memref_slice %arg2[%mul3A_40, %dma_wait3A_45] : memref<100000x128xf32, #tpu.memory_space<hbm>> -> memref<128x128xf32, #tpu.memory_space<hbm>>
          tpu.wait_dma2 semaphore(%run_scoped3A : memref<!tpu.dma_semaphore, #tpu.memory_space<semaphore_mem>>) src(%dma_wait3A_46 : memref<128x128xf32, #tpu.memory_space<hbm>>) dst(%arg7 : memref<128x128xf32, #tpu.memory_space<vmem>>)
          tpu.yield
        }) : () -> ()
        "tpu.region"() ({
          %run_scoped3A = tpu.sem_alloc : memref<!tpu.dma_semaphore, #tpu.memory_space<semaphore_mem>>
          %dma_start3A = arith.constant 0 : i32
          %dma_start3A_41 = arith.constant 0 : i32
          %dma_start3A_42 = tpu.memref_slice %arg13[%dma_start3A, %dma_start3A_41] : memref<1024x128xf32, #tpu.memory_space<vmem_shared>> -> memref<1024x128xf32, #tpu.memory_space<vmem_shared>>
          tpu.enqueue_indirect_dma source(%arg7 : memref<128x128xf32, #tpu.memory_space<vmem>>) target(%dma_start3A_42 : memref<1024x128xf32, #tpu.memory_space<vmem_shared>>) offsets(%arg6 : memref<128xi32, #tpu.memory_space<vmem>>) semaphore(%run_scoped3A : memref<!tpu.dma_semaphore, #tpu.memory_space<semaphore_mem>>) {add = true}
          %dma_wait3A = arith.constant 0 : i32
          %dma_wait3A_43 = arith.constant 0 : i32
          %dma_wait3A_44 = tpu.memref_slice %arg13[%dma_wait3A, %dma_wait3A_43] : memref<1024x128xf32, #tpu.memory_space<vmem_shared>> -> memref<1024x128xf32, #tpu.memory_space<vmem_shared>>
          tpu.wait_indirect_dma semaphore(%run_scoped3A : memref<!tpu.dma_semaphore, #tpu.memory_space<semaphore_mem>>) src(%arg7 : memref<128x128xf32, #tpu.memory_space<vmem>>) dst(%dma_wait3A_44 : memref<1024x128xf32, #tpu.memory_space<vmem_shared>>)
          tpu.yield
        }) : () -> ()
        "tpu.region"() ({
          %run_scoped3A = tpu.sem_alloc : memref<!tpu.dma_semaphore, #tpu.memory_space<semaphore_mem>>
          %dma_start3A = arith.constant 0 : i32
          %dma_start3A_41 = arith.constant 0 : i32
          %dma_start3A_42 = tpu.memref_slice %arg14[%dma_start3A, %dma_start3A_41] : memref<1024x128xf32, #tpu.memory_space<vmem_shared>> -> memref<1024x128xf32, #tpu.memory_space<vmem_shared>>
          tpu.enqueue_indirect_dma source(%arg8 : memref<128x128xf32, #tpu.memory_space<vmem>>) target(%dma_start3A_42 : memref<1024x128xf32, #tpu.memory_space<vmem_shared>>) offsets(%arg6 : memref<128xi32, #tpu.memory_space<vmem>>) semaphore(%run_scoped3A : memref<!tpu.dma_semaphore, #tpu.memory_space<semaphore_mem>>) {add = true}
          %dma_wait3A = arith.constant 0 : i32
          %dma_wait3A_43 = arith.constant 0 : i32
          %dma_wait3A_44 = tpu.memref_slice %arg14[%dma_wait3A, %dma_wait3A_43] : memref<1024x128xf32, #tpu.memory_space<vmem_shared>> -> memref<1024x128xf32, #tpu.memory_space<vmem_shared>>
          tpu.wait_indirect_dma semaphore(%run_scoped3A : memref<!tpu.dma_semaphore, #tpu.memory_space<semaphore_mem>>) src(%arg8 : memref<128x128xf32, #tpu.memory_space<vmem>>) dst(%dma_wait3A_44 : memref<1024x128xf32, #tpu.memory_space<vmem_shared>>)
          tpu.yield
        }) : () -> ()
      } else {
      }
    }
    %scan3A_25 = arith.constant 25 : i32
    %eq3A = arith.constant 0 : i32
    %eq3A_26 = arith.cmpi eq, %add3A, %eq3A : i32
    %convert_element_type3A = arith.extui %eq3A_26 : i1 to i32
    %cond3A = arith.constant 0 : i32
    %cond3A_27 = arith.cmpi ne, %convert_element_type3A, %cond3A : i32
    scf.if %cond3A_27 {
      "tpu.region"() ({
        %run_scoped3A = tpu.sem_alloc : memref<!tpu.dma_semaphore, #tpu.memory_space<semaphore_mem>>
        %dma_start3A = arith.constant 99968 : i32
        %dma_start3A_29 = tpu.memref_slice %arg3[%dma_start3A] : memref<100000xi32, #tpu.memory_space<hbm>> -> memref<32xi32, #tpu.memory_space<hbm>>
        %dma_start3A_30 = arith.constant 99968 : i32
        %dma_start3A_31 = tpu.memref_slice %arg3[%dma_start3A_30] : memref<100000xi32, #tpu.memory_space<hbm>> -> memref<32xi32, #tpu.memory_space<hbm>>
        tpu.enqueue_dma source(%dma_start3A_31 : memref<32xi32, #tpu.memory_space<hbm>>) target(%arg11 : memref<32xi32, #tpu.memory_space<vmem>>) target_semaphore(%run_scoped3A : memref<!tpu.dma_semaphore, #tpu.memory_space<semaphore_mem>>)
        %dma_wait3A = arith.constant 99968 : i32
        %dma_wait3A_32 = tpu.memref_slice %arg3[%dma_wait3A] : memref<100000xi32, #tpu.memory_space<hbm>> -> memref<32xi32, #tpu.memory_space<hbm>>
        %dma_wait3A_33 = arith.constant 99968 : i32
        %dma_wait3A_34 = tpu.memref_slice %arg3[%dma_wait3A_33] : memref<100000xi32, #tpu.memory_space<hbm>> -> memref<32xi32, #tpu.memory_space<hbm>>
        tpu.wait_dma2 semaphore(%run_scoped3A : memref<!tpu.dma_semaphore, #tpu.memory_space<semaphore_mem>>) src(%dma_wait3A_34 : memref<32xi32, #tpu.memory_space<hbm>>) dst(%arg11 : memref<32xi32, #tpu.memory_space<vmem>>)
        tpu.yield
      }) : () -> ()
      "tpu.region"() ({
        %run_scoped3A = tpu.sem_alloc : memref<!tpu.dma_semaphore, #tpu.memory_space<semaphore_mem>>
        %dma_start3A = arith.constant 99968 : i32
        %dma_start3A_29 = arith.constant 0 : i32
        %dma_start3A_30 = tpu.memref_slice %arg2[%dma_start3A, %dma_start3A_29] : memref<100000x128xf32, #tpu.memory_space<hbm>> -> memref<32x128xf32, #tpu.memory_space<hbm>>
        %dma_start3A_31 = arith.constant 99968 : i32
        %dma_start3A_32 = arith.constant 0 : i32
        %dma_start3A_33 = tpu.memref_slice %arg2[%dma_start3A_31, %dma_start3A_32] : memref<100000x128xf32, #tpu.memory_space<hbm>> -> memref<32x128xf32, #tpu.memory_space<hbm>>
        tpu.enqueue_dma source(%dma_start3A_33 : memref<32x128xf32, #tpu.memory_space<hbm>>) target(%arg12 : memref<32x128xf32, #tpu.memory_space<vmem>>) target_semaphore(%run_scoped3A : memref<!tpu.dma_semaphore, #tpu.memory_space<semaphore_mem>>)
        %dma_wait3A = arith.constant 99968 : i32
        %dma_wait3A_34 = arith.constant 0 : i32
        %dma_wait3A_35 = tpu.memref_slice %arg2[%dma_wait3A, %dma_wait3A_34] : memref<100000x128xf32, #tpu.memory_space<hbm>> -> memref<32x128xf32, #tpu.memory_space<hbm>>
        %dma_wait3A_36 = arith.constant 99968 : i32
        %dma_wait3A_37 = arith.constant 0 : i32
        %dma_wait3A_38 = tpu.memref_slice %arg2[%dma_wait3A_36, %dma_wait3A_37] : memref<100000x128xf32, #tpu.memory_space<hbm>> -> memref<32x128xf32, #tpu.memory_space<hbm>>
        tpu.wait_dma2 semaphore(%run_scoped3A : memref<!tpu.dma_semaphore, #tpu.memory_space<semaphore_mem>>) src(%dma_wait3A_38 : memref<32x128xf32, #tpu.memory_space<hbm>>) dst(%arg12 : memref<32x128xf32, #tpu.memory_space<vmem>>)
        tpu.yield
      }) : () -> ()
      "tpu.region"() ({
        %run_scoped3A = tpu.sem_alloc : memref<!tpu.dma_semaphore, #tpu.memory_space<semaphore_mem>>
        %dma_start3A = arith.constant 0 : i32
        %dma_start3A_29 = arith.constant 0 : i32
        %dma_start3A_30 = tpu.memref_slice %arg13[%dma_start3A, %dma_start3A_29] : memref<1024x128xf32, #tpu.memory_space<vmem_shared>> -> memref<1024x128xf32, #tpu.memory_space<vmem_shared>>
        tpu.enqueue_indirect_dma source(%arg12 : memref<32x128xf32, #tpu.memory_space<vmem>>) target(%dma_start3A_30 : memref<1024x128xf32, #tpu.memory_space<vmem_shared>>) offsets(%arg11 : memref<32xi32, #tpu.memory_space<vmem>>) semaphore(%run_scoped3A : memref<!tpu.dma_semaphore, #tpu.memory_space<semaphore_mem>>) {add = true}
        %dma_wait3A = arith.constant 0 : i32
        %dma_wait3A_31 = arith.constant 0 : i32
        %dma_wait3A_32 = tpu.memref_slice %arg13[%dma_wait3A, %dma_wait3A_31] : memref<1024x128xf32, #tpu.memory_space<vmem_shared>> -> memref<1024x128xf32, #tpu.memory_space<vmem_shared>>
        tpu.wait_indirect_dma semaphore(%run_scoped3A : memref<!tpu.dma_semaphore, #tpu.memory_space<semaphore_mem>>) src(%arg12 : memref<32x128xf32, #tpu.memory_space<vmem>>) dst(%dma_wait3A_32 : memref<1024x128xf32, #tpu.memory_space<vmem_shared>>)
        tpu.yield
      }) : () -> ()
      "tpu.region"() ({
        %run_scoped3A = tpu.sem_alloc : memref<!tpu.dma_semaphore, #tpu.memory_space<semaphore_mem>>
        %dma_start3A = arith.constant 0 : i32
        %dma_start3A_29 = arith.constant 0 : i32
        %dma_start3A_30 = tpu.memref_slice %arg8[%dma_start3A, %dma_start3A_29] : memref<128x128xf32, #tpu.memory_space<vmem>> -> memref<32x128xf32, #tpu.memory_space<vmem>>
        %dma_start3A_31 = arith.constant 0 : i32
        %dma_start3A_32 = arith.constant 0 : i32
        %dma_start3A_33 = tpu.memref_slice %arg14[%dma_start3A_31, %dma_start3A_32] : memref<1024x128xf32, #tpu.memory_space<vmem_shared>> -> memref<1024x128xf32, #tpu.memory_space<vmem_shared>>
        tpu.enqueue_indirect_dma source(%dma_start3A_30 : memref<32x128xf32, #tpu.memory_space<vmem>>) target(%dma_start3A_33 : memref<1024x128xf32, #tpu.memory_space<vmem_shared>>) offsets(%arg11 : memref<32xi32, #tpu.memory_space<vmem>>) semaphore(%run_scoped3A : memref<!tpu.dma_semaphore, #tpu.memory_space<semaphore_mem>>) {add = true}
        %dma_wait3A = arith.constant 0 : i32
        %dma_wait3A_34 = arith.constant 0 : i32
        %dma_wait3A_35 = tpu.memref_slice %arg8[%dma_wait3A, %dma_wait3A_34] : memref<128x128xf32, #tpu.memory_space<vmem>> -> memref<32x128xf32, #tpu.memory_space<vmem>>
        %dma_wait3A_36 = arith.constant 0 : i32
        %dma_wait3A_37 = arith.constant 0 : i32
        %dma_wait3A_38 = tpu.memref_slice %arg14[%dma_wait3A_36, %dma_wait3A_37] : memref<1024x128xf32, #tpu.memory_space<vmem_shared>> -> memref<1024x128xf32, #tpu.memory_space<vmem_shared>>
        tpu.wait_indirect_dma semaphore(%run_scoped3A : memref<!tpu.dma_semaphore, #tpu.memory_space<semaphore_mem>>) src(%dma_wait3A_35 : memref<32x128xf32, #tpu.memory_space<vmem>>) dst(%dma_wait3A_38 : memref<1024x128xf32, #tpu.memory_space<vmem_shared>>)
        tpu.yield
      }) : () -> ()
    } else {
    }
    %barrier3A_28 = arith.constant 0 : index
    tpu.barrier barrier_id(%barrier3A_28)
    "tpu.region"() ({
      %run_scoped3A = tpu.sem_alloc : memref<!tpu.dma_semaphore, #tpu.memory_space<semaphore_mem>>
      %dma_start3A = arith.constant 0 : i32
      %dma_start3A_29 = tpu.memref_slice %arg4[%arg0, %mul3A_19, %dma_start3A] : memref<2x1024x128xf32, #tpu.memory_space<hbm>> -> memref<1x64x128xf32, #tpu.memory_space<hbm>>
      %dma_start3A_30 = tpu.memref_squeeze %dma_start3A_29 : memref<1x64x128xf32, #tpu.memory_space<hbm>> -> memref<64x128xf32, #tpu.memory_space<hbm>>
      %dma_start3A_31 = arith.constant 0 : i32
      %dma_start3A_32 = tpu.memref_slice %arg13[%mul3A_19, %dma_start3A_31] : memref<1024x128xf32, #tpu.memory_space<vmem_shared>> -> memref<64x128xf32, #tpu.memory_space<vmem_shared>>
      tpu.enqueue_dma source(%dma_start3A_32 : memref<64x128xf32, #tpu.memory_space<vmem_shared>>) target(%dma_start3A_30 : memref<64x128xf32, #tpu.memory_space<hbm>>) target_semaphore(%run_scoped3A : memref<!tpu.dma_semaphore, #tpu.memory_space<semaphore_mem>>)
      %dma_wait3A = arith.constant 0 : i32
      %dma_wait3A_33 = tpu.memref_slice %arg4[%arg0, %mul3A_19, %dma_wait3A] : memref<2x1024x128xf32, #tpu.memory_space<hbm>> -> memref<1x64x128xf32, #tpu.memory_space<hbm>>
      %dma_wait3A_34 = tpu.memref_squeeze %dma_wait3A_33 : memref<1x64x128xf32, #tpu.memory_space<hbm>> -> memref<64x128xf32, #tpu.memory_space<hbm>>
      %dma_wait3A_35 = arith.constant 0 : i32
      %dma_wait3A_36 = tpu.memref_slice %arg13[%mul3A_19, %dma_wait3A_35] : memref<1024x128xf32, #tpu.memory_space<vmem_shared>> -> memref<64x128xf32, #tpu.memory_space<vmem_shared>>
      tpu.wait_dma2 semaphore(%run_scoped3A : memref<!tpu.dma_semaphore, #tpu.memory_space<semaphore_mem>>) src(%dma_wait3A_36 : memref<64x128xf32, #tpu.memory_space<vmem_shared>>) dst(%dma_wait3A_34 : memref<64x128xf32, #tpu.memory_space<hbm>>)
      tpu.yield
    }) : () -> ()
    "tpu.region"() ({
      %run_scoped3A = tpu.sem_alloc : memref<!tpu.dma_semaphore, #tpu.memory_space<semaphore_mem>>
      %dma_start3A = arith.constant 0 : i32
      %dma_start3A_29 = tpu.memref_slice %arg5[%arg0, %mul3A_19, %dma_start3A] : memref<2x1024x128xf32, #tpu.memory_space<hbm>> -> memref<1x64x128xf32, #tpu.memory_space<hbm>>
      %dma_start3A_30 = tpu.memref_squeeze %dma_start3A_29 : memref<1x64x128xf32, #tpu.memory_space<hbm>> -> memref<64x128xf32, #tpu.memory_space<hbm>>
      %dma_start3A_31 = arith.constant 0 : i32
      %dma_start3A_32 = tpu.memref_slice %arg14[%mul3A_19, %dma_start3A_31] : memref<1024x128xf32, #tpu.memory_space<vmem_shared>> -> memref<64x128xf32, #tpu.memory_space<vmem_shared>>
      tpu.enqueue_dma source(%dma_start3A_32 : memref<64x128xf32, #tpu.memory_space<vmem_shared>>) target(%dma_start3A_30 : memref<64x128xf32, #tpu.memory_space<hbm>>) target_semaphore(%run_scoped3A : memref<!tpu.dma_semaphore, #tpu.memory_space<semaphore_mem>>)
      %dma_wait3A = arith.constant 0 : i32
      %dma_wait3A_33 = tpu.memref_slice %arg5[%arg0, %mul3A_19, %dma_wait3A] : memref<2x1024x128xf32, #tpu.memory_space<hbm>> -> memref<1x64x128xf32, #tpu.memory_space<hbm>>
      %dma_wait3A_34 = tpu.memref_squeeze %dma_wait3A_33 : memref<1x64x128xf32, #tpu.memory_space<hbm>> -> memref<64x128xf32, #tpu.memory_space<hbm>>
      %dma_wait3A_35 = arith.constant 0 : i32
      %dma_wait3A_36 = tpu.memref_slice %arg14[%mul3A_19, %dma_wait3A_35] : memref<1024x128xf32, #tpu.memory_space<vmem_shared>> -> memref<64x128xf32, #tpu.memory_space<vmem_shared>>
      tpu.wait_dma2 semaphore(%run_scoped3A : memref<!tpu.dma_semaphore, #tpu.memory_space<semaphore_mem>>) src(%dma_wait3A_36 : memref<64x128xf32, #tpu.memory_space<vmem_shared>>) dst(%dma_wait3A_34 : memref<64x128xf32, #tpu.memory_space<hbm>>)
      tpu.yield
    }) : () -> ()
    return
  }
}

module attributes {stable_mosaic.version = 14 : i64} {
  func.func @_table_kernel(%arg0: memref<2x1024x128xf32, #tpu.memory_space<vmem>>, %arg1: memref<2x1024x128xf32, #tpu.memory_space<vmem>>, %arg2: memref<128x128xf32, #tpu.memory_space<vmem>>, %arg3: memref<1024x1xf32, #tpu.memory_space<vmem>>, %arg4: memref<1024x128xf32, #tpu.memory_space<vmem>>, %arg5: memref<1024x128xf32, #tpu.memory_space<vmem>>, %arg6: memref<1024x128xf32, #tpu.memory_space<vmem>>) attributes {dimension_semantics = [], scalar_prefetch = 0 : i64, scratch_operands = 0 : i64, tpu.core_type = #tpu.core_type<tc>} {
    %get3A = arith.constant 0 : index
    %get3A_0 = arith.constant 0 : index
    %get3A_1 = arith.constant 0 : index
    %get3A_2 = vector.load %arg1[%get3A, %get3A_0, %get3A_1] : memref<2x1024x128xf32, #tpu.memory_space<vmem>>, vector<1x1024x1xf32>
    %get3A_3 = vector.shape_cast %get3A_2 : vector<1x1024x1xf32> to vector<1024x1xf32>
    %get3A_4 = arith.constant 1 : index
    %get3A_5 = arith.constant 0 : index
    %get3A_6 = arith.constant 0 : index
    %get3A_7 = vector.load %arg1[%get3A_4, %get3A_5, %get3A_6] : memref<2x1024x128xf32, #tpu.memory_space<vmem>>, vector<1x1024x1xf32>
    %get3A_8 = vector.shape_cast %get3A_7 : vector<1x1024x1xf32> to vector<1024x1xf32>
    %add3A = arith.addf %get3A_3, %get3A_8 : vector<1024x1xf32>
    %max3A = arith.constant 1.000000e+00 : f32
    %max3A_9 = vector.broadcast %max3A : f32 to vector<1024x1xf32>
    %max3A_10 = arith.maximumf %add3A, %max3A_9 : vector<1024x1xf32>
    %get3A_11 = arith.constant 0 : index
    %get3A_12 = arith.constant 0 : index
    %get3A_13 = arith.constant 0 : index
    %get3A_14 = vector.load %arg0[%get3A_11, %get3A_12, %get3A_13] : memref<2x1024x128xf32, #tpu.memory_space<vmem>>, vector<1x1024x128xf32>
    %get3A_15 = vector.shape_cast %get3A_14 : vector<1x1024x128xf32> to vector<1024x128xf32>
    %get3A_16 = arith.constant 1 : index
    %get3A_17 = arith.constant 0 : index
    %get3A_18 = arith.constant 0 : index
    %get3A_19 = vector.load %arg0[%get3A_16, %get3A_17, %get3A_18] : memref<2x1024x128xf32, #tpu.memory_space<vmem>>, vector<1x1024x128xf32>
    %get3A_20 = vector.shape_cast %get3A_19 : vector<1x1024x128xf32> to vector<1024x128xf32>
    %add3A_21 = arith.addf %get3A_15, %get3A_20 : vector<1024x128xf32>
    %div3A = vector.broadcast %max3A_10 : vector<1024x1xf32> to vector<1024x128xf32>
    %div3A_22 = arith.divf %add3A_21, %div3A : vector<1024x128xf32>
    %logistic3A = arith.negf %div3A_22 : vector<1024x128xf32>
    %logistic3A_23 = math.exp %logistic3A : vector<1024x128xf32>
    %logistic3A_24 = arith.constant 1.000000e+00 : f32
    %logistic3A_25 = vector.broadcast %logistic3A_24 : f32 to vector<1024x128xf32>
    %logistic3A_26 = arith.addf %logistic3A_25, %logistic3A_23 : vector<1024x128xf32>
    %logistic3A_27 = arith.divf %logistic3A_25, %logistic3A_26 : vector<1024x128xf32>
    %get3A_28 = arith.constant 0 : index
    %get3A_29 = arith.constant 0 : index
    %get3A_30 = vector.load %arg2[%get3A_28, %get3A_29] : memref<128x128xf32, #tpu.memory_space<vmem>>, vector<128x128xf32>
    %dot_general3A = arith.constant dense<0.000000e+00> : vector<1024x128xf32>
    %dot_general3A_31 = tpu.matmul %logistic3A_27, %get3A_30, %dot_general3A {dimension_numbers = #tpu.dot_dimension_numbers<[1], [0], [0], [1], [0, 0, 1, 1], [], []>, transpose_lhs_hint = false} : vector<1024x128xf32>, vector<128x128xf32>, vector<1024x128xf32> -> vector<1024x128xf32>
    %swap3A = arith.constant 0 : index
    %swap3A_32 = arith.constant 0 : index
    %swap3A_33 = vector.load %arg4[%swap3A, %swap3A_32] : memref<1024x128xf32, #tpu.memory_space<vmem>>, vector<1024x128xf32>
    tpu.vector_store %arg4[%swap3A, %swap3A_32], %dot_general3A_31 {strides = array<i32>} : memref<1024x128xf32, #tpu.memory_space<vmem>>, vector<1024x128xf32>,
    %iota3A = tpu.iota {dimensions = array<i32: 1>} : vector<1024x1024xi32>
    %convert_element_type3A = arith.sitofp %iota3A : vector<1024x1024xi32> to vector<1024x1024xf32>
    %get3A_34 = arith.constant 0 : index
    %get3A_35 = arith.constant 0 : index
    %get3A_36 = vector.load %arg3[%get3A_34, %get3A_35] : memref<1024x1xf32, #tpu.memory_space<vmem>>, vector<1024x1xf32>
    %eq3A = vector.broadcast %get3A_36 : vector<1024x1xf32> to vector<1024x1024xf32>
    %eq3A_37 = arith.cmpf oeq, %eq3A, %convert_element_type3A : vector<1024x1024xf32>
    %convert_element_type3A_38 = arith.extui %eq3A_37 : vector<1024x1024xi1> to vector<1024x1024xi32>
    %convert_element_type3A_39 = arith.sitofp %convert_element_type3A_38 : vector<1024x1024xi32> to vector<1024x1024xf32>
    %dot_general3A_40 = arith.constant dense<0.000000e+00> : vector<1024x128xf32>
    %dot_general3A_41 = tpu.matmul %convert_element_type3A_39, %dot_general3A_31, %dot_general3A_40 {dimension_numbers = #tpu.dot_dimension_numbers<[1], [0], [0], [1], [0, 0, 1, 1], [], []>, transpose_lhs_hint = false} : vector<1024x1024xf32>, vector<1024x128xf32>, vector<1024x128xf32> -> vector<1024x128xf32>
    %swap3A_42 = arith.constant 0 : index
    %swap3A_43 = arith.constant 0 : index
    %swap3A_44 = vector.load %arg5[%swap3A_42, %swap3A_43] : memref<1024x128xf32, #tpu.memory_space<vmem>>, vector<1024x128xf32>
    tpu.vector_store %arg5[%swap3A_42, %swap3A_43], %dot_general3A_41 {strides = array<i32>} : memref<1024x128xf32, #tpu.memory_space<vmem>>, vector<1024x128xf32>,
    %div3A_45 = arith.constant 1.000000e+00 : f32
    %div3A_46 = vector.broadcast %div3A_45 : f32 to vector<1024x1xf32>
    %div3A_47 = arith.divf %div3A_46, %max3A_10 : vector<1024x1xf32>
    %broadcast_in_dim3A = vector.shape_cast %div3A_47 : vector<1024x1xf32> to vector<1024x1xf32>
    %broadcast_in_dim3A_48 = vector.broadcast %broadcast_in_dim3A : vector<1024x1xf32> to vector<1024x128xf32>
    %swap3A_49 = arith.constant 0 : index
    %swap3A_50 = arith.constant 0 : index
    %swap3A_51 = vector.load %arg6[%swap3A_49, %swap3A_50] : memref<1024x128xf32, #tpu.memory_space<vmem>>, vector<1024x128xf32>
    tpu.vector_store %arg6[%swap3A_49, %swap3A_50], %broadcast_in_dim3A_48 {strides = array<i32>} : memref<1024x128xf32, #tpu.memory_space<vmem>>, vector<1024x128xf32>,
    return
  }
}

module attributes {stable_mosaic.version = 14 : i64} {
  func.func @_loss_kernel(%arg0: i32, %arg1: memref<25x8xi32, #tpu.memory_space<smem>>, %arg2: memref<1x1x4000xi32, #tpu.memory_space<vmem>>, %arg3: memref<4000x128xf32, #tpu.memory_space<vmem>>, %arg4: memref<128x1024xf32, #tpu.memory_space<vmem>>, %arg5: memref<128x1024xf32, #tpu.memory_space<vmem>>, %arg6: memref<8x1024xf32, #tpu.memory_space<vmem>>, %arg7: memref<1xf32, #tpu.memory_space<smem>>, %arg8: memref<1x1xf32, #tpu.memory_space<vmem>>, %arg9: memref<4000x1xf32, #tpu.memory_space<vmem>>, %arg10: memref<4000x1xf32, #tpu.memory_space<vmem>>, %arg11: memref<4000x1xf32, #tpu.memory_space<vmem>>) attributes {dimension_semantics = [#tpu.dimension_semantics<arbitrary>], iteration_bounds = array<i64: 25>, scalar_prefetch = 0 : i64, scratch_operands = 3 : i64, tpu.core_type = #tpu.core_type<tc>, window_params = [{transform_indices = @transform_0, window_bounds = array<i64: 25, 8>}, {transform_indices = @transform_1, window_bounds = array<i64: 1, 1, 4000>}, {transform_indices = @transform_2, window_bounds = array<i64: 4000, 128>}, {pipeline_mode = #tpu.pipeline_mode<synchronous>, transform_indices = @transform_3, window_bounds = array<i64: 128, 1024>}, {pipeline_mode = #tpu.pipeline_mode<synchronous>, transform_indices = @transform_4, window_bounds = array<i64: 128, 1024>}, {pipeline_mode = #tpu.pipeline_mode<synchronous>, transform_indices = @transform_5, window_bounds = array<i64: 8, 1024>}, {transform_indices = @transform_6, window_bounds = array<i64: 1>}, {pipeline_mode = #tpu.pipeline_mode<synchronous>, transform_indices = @transform_7, window_bounds = array<i64: 1, 1>}]} {
    %eq3A = arith.constant 0 : i32
    %eq3A_0 = arith.cmpi eq, %arg0, %eq3A : i32
    %convert_element_type3A = arith.extui %eq3A_0 : i1 to i32
    %cond3A = arith.constant 0 : i32
    %cond3A_1 = arith.cmpi ne, %convert_element_type3A, %cond3A : i32
    scf.if %cond3A_1 {
      %broadcast_in_dim3A_127 = arith.constant 0.000000e+00 : f32
      %broadcast_in_dim3A_128 = vector.broadcast %broadcast_in_dim3A_127 : f32 to vector<1x1xf32>
      %swap3A_129 = arith.constant 0 : index
      %swap3A_130 = arith.constant 0 : index
      %swap3A_131 = vector.load %arg8[%swap3A_129, %swap3A_130] : memref<1x1xf32, #tpu.memory_space<vmem>>, vector<1x1xf32>
      tpu.vector_store %arg8[%swap3A_129, %swap3A_130], %broadcast_in_dim3A_128 {strides = array<i32>} : memref<1x1xf32, #tpu.memory_space<vmem>>, vector<1x1xf32>,
    } else {
    }
    %broadcast_in_dim3A = arith.constant 0.000000e+00 : f32
    %broadcast_in_dim3A_2 = vector.broadcast %broadcast_in_dim3A : f32 to vector<4000x1xf32>
    %swap3A = arith.constant 0 : index
    %swap3A_3 = arith.constant 0 : index
    %swap3A_4 = vector.load %arg9[%swap3A, %swap3A_3] : memref<4000x1xf32, #tpu.memory_space<vmem>>, vector<4000x1xf32>
    tpu.vector_store %arg9[%swap3A, %swap3A_3], %broadcast_in_dim3A_2 {strides = array<i32>} : memref<4000x1xf32, #tpu.memory_space<vmem>>, vector<4000x1xf32>,
    %broadcast_in_dim3A_5 = arith.constant 0.000000e+00 : f32
    %broadcast_in_dim3A_6 = vector.broadcast %broadcast_in_dim3A_5 : f32 to vector<4000x1xf32>
    %swap3A_7 = arith.constant 0 : index
    %swap3A_8 = arith.constant 0 : index
    %swap3A_9 = vector.load %arg10[%swap3A_7, %swap3A_8] : memref<4000x1xf32, #tpu.memory_space<vmem>>, vector<4000x1xf32>
    tpu.vector_store %arg10[%swap3A_7, %swap3A_8], %broadcast_in_dim3A_6 {strides = array<i32>} : memref<4000x1xf32, #tpu.memory_space<vmem>>, vector<4000x1xf32>,
    %broadcast_in_dim3A_10 = arith.constant 0.000000e+00 : f32
    %broadcast_in_dim3A_11 = vector.broadcast %broadcast_in_dim3A_10 : f32 to vector<4000x1xf32>
    %swap3A_12 = arith.constant 0 : index
    %swap3A_13 = arith.constant 0 : index
    %swap3A_14 = vector.load %arg11[%swap3A_12, %swap3A_13] : memref<4000x1xf32, #tpu.memory_space<vmem>>, vector<4000x1xf32>
    tpu.vector_store %arg11[%swap3A_12, %swap3A_13], %broadcast_in_dim3A_11 {strides = array<i32>} : memref<4000x1xf32, #tpu.memory_space<vmem>>, vector<4000x1xf32>,
    %get3A = arith.constant 0 : index
    %get3A_15 = arith.constant 0 : index
    %get3A_16 = arith.constant 0 : index
    %get3A_17 = vector.load %arg2[%get3A, %get3A_15, %get3A_16] : memref<1x1x4000xi32, #tpu.memory_space<vmem>>, vector<1x1x4000xi32>
    %get3A_18 = vector.shape_cast %get3A_17 : vector<1x1x4000xi32> to vector<4000xi32>
    %get3A_19 = arith.constant 0 : index
    %get3A_20 = arith.constant 0 : index
    %get3A_21 = vector.load %arg3[%get3A_19, %get3A_20] : memref<4000x128xf32, #tpu.memory_space<vmem>>, vector<4000x128xf32>
    %iota3A = tpu.iota {dimensions = array<i32: 1>} : vector<4000x128xi32>
    %get3A_22 = arith.index_cast %arg0 : i32 to index
    %get3A_23 = arith.constant 0 : index
    %get3A_24 = memref.load %arg1[%get3A_22, %get3A_23] : memref<25x8xi32, #tpu.memory_space<smem>>
    %gt3A = arith.constant 0 : i32
    %gt3A_25 = arith.cmpi sgt, %get3A_24, %gt3A : i32
    %convert_element_type3A_26 = arith.extui %gt3A_25 : i1 to i32
    %cond3A_27 = arith.constant 0 : i32
    %cond3A_28 = arith.cmpi ne, %convert_element_type3A_26, %cond3A_27 : i32
    scf.if %cond3A_28 {
      %get3A_127 = arith.constant 0 : index
      %get3A_128 = arith.constant 0 : index
      %get3A_129 = vector.load %arg4[%get3A_127, %get3A_128] : memref<128x1024xf32, #tpu.memory_space<vmem>>, vector<128x128xf32>
      %dot_general3A = arith.constant dense<0.000000e+00> : vector<4000x128xf32>
      %dot_general3A_130 = tpu.matmul %get3A_21, %get3A_129, %dot_general3A {dimension_numbers = #tpu.dot_dimension_numbers<[1], [0], [0], [1], [0, 0, 1, 1], [], []>, transpose_lhs_hint = false} : vector<4000x128xf32>, vector<128x128xf32>, vector<4000x128xf32> -> vector<4000x128xf32>
      %get3A_131 = arith.constant 0 : index
      %get3A_132 = arith.constant 0 : index
      %get3A_133 = vector.load %arg5[%get3A_131, %get3A_132] : memref<128x1024xf32, #tpu.memory_space<vmem>>, vector<128x128xf32>
      %dot_general3A_134 = arith.constant dense<0.000000e+00> : vector<4000x128xf32>
      %dot_general3A_135 = tpu.matmul %get3A_21, %get3A_133, %dot_general3A_134 {dimension_numbers = #tpu.dot_dimension_numbers<[1], [0], [0], [1], [0, 0, 1, 1], [], []>, transpose_lhs_hint = false} : vector<4000x128xf32>, vector<128x128xf32>, vector<4000x128xf32> -> vector<4000x128xf32>
      %add3A_136 = arith.constant 0 : i32
      %add3A_137 = vector.broadcast %add3A_136 : i32 to vector<4000x128xi32>
      %add3A_138 = arith.addi %iota3A, %add3A_137 : vector<4000x128xi32>
      %broadcast_in_dim3A_139 = vector.shape_cast %get3A_18 : vector<4000xi32> to vector<4000x1xi32>
      %eq3A_140 = vector.broadcast %broadcast_in_dim3A_139 : vector<4000x1xi32> to vector<4000x128xi32>
      %eq3A_141 = arith.cmpi eq, %add3A_138, %eq3A_140 : vector<4000x128xi32>
      %convert_element_type3A_142 = arith.extui %eq3A_141 : vector<4000x128xi1> to vector<4000x128xi32>
      %convert_element_type3A_143 = arith.sitofp %convert_element_type3A_142 : vector<4000x128xi32> to vector<4000x128xf32>
      %get3A_144 = arith.constant 0 : index
      %get3A_145 = arith.constant 0 : index
      %get3A_146 = vector.load %arg9[%get3A_144, %get3A_145] : memref<4000x1xf32, #tpu.memory_space<vmem>>, vector<4000x1xf32>
      %mul3A_147 = arith.mulf %dot_general3A_130, %convert_element_type3A_143 : vector<4000x128xf32>
      %reduce_sum3A_148 = arith.constant dense<0.000000e+00> : vector<4000xf32>
      %reduce_sum3A_149 = vector.multi_reduction <add>, %mul3A_147, %reduce_sum3A_148 [1] : vector<4000x128xf32> to vector<4000xf32>
      %broadcast_in_dim3A_150 = vector.shape_cast %reduce_sum3A_149 : vector<4000xf32> to vector<4000x1xf32>
      %add3A_151 = arith.addf %get3A_146, %broadcast_in_dim3A_150 : vector<4000x1xf32>
      %swap3A_152 = arith.constant 0 : index
      %swap3A_153 = arith.constant 0 : index
      %swap3A_154 = vector.load %arg9[%swap3A_152, %swap3A_153] : memref<4000x1xf32, #tpu.memory_space<vmem>>, vector<4000x1xf32>
      tpu.vector_store %arg9[%swap3A_152, %swap3A_153], %add3A_151 {strides = array<i32>} : memref<4000x1xf32, #tpu.memory_space<vmem>>, vector<4000x1xf32>,
      %get3A_155 = arith.constant 0 : index
      %get3A_156 = arith.constant 0 : index
      %get3A_157 = vector.load %arg10[%get3A_155, %get3A_156] : memref<4000x1xf32, #tpu.memory_space<vmem>>, vector<4000x1xf32>
      %mul3A_158 = arith.mulf %dot_general3A_135, %convert_element_type3A_143 : vector<4000x128xf32>
      %reduce_sum3A_159 = arith.constant dense<0.000000e+00> : vector<4000xf32>
      %reduce_sum3A_160 = vector.multi_reduction <add>, %mul3A_158, %reduce_sum3A_159 [1] : vector<4000x128xf32> to vector<4000xf32>
      %broadcast_in_dim3A_161 = vector.shape_cast %reduce_sum3A_160 : vector<4000xf32> to vector<4000x1xf32>
      %add3A_162 = arith.addf %get3A_157, %broadcast_in_dim3A_161 : vector<4000x1xf32>
      %swap3A_163 = arith.constant 0 : index
      %swap3A_164 = arith.constant 0 : index
      %swap3A_165 = vector.load %arg10[%swap3A_163, %swap3A_164] : memref<4000x1xf32, #tpu.memory_space<vmem>>, vector<4000x1xf32>
      tpu.vector_store %arg10[%swap3A_163, %swap3A_164], %add3A_162 {strides = array<i32>} : memref<4000x1xf32, #tpu.memory_space<vmem>>, vector<4000x1xf32>,
      %get3A_166 = arith.constant 0 : index
      %get3A_167 = arith.constant 0 : index
      %get3A_168 = vector.load %arg11[%get3A_166, %get3A_167] : memref<4000x1xf32, #tpu.memory_space<vmem>>, vector<4000x1xf32>
      %get3A_169 = arith.constant 0 : index
      %get3A_170 = arith.constant 0 : index
      %get3A_171 = vector.load %arg6[%get3A_169, %get3A_170] : memref<8x1024xf32, #tpu.memory_space<vmem>>, vector<1x128xf32>
      %mul3A_172 = vector.broadcast %get3A_171 : vector<1x128xf32> to vector<4000x128xf32>
      %mul3A_173 = arith.mulf %convert_element_type3A_143, %mul3A_172 : vector<4000x128xf32>
      %reduce_sum3A_174 = arith.constant dense<0.000000e+00> : vector<4000xf32>
      %reduce_sum3A_175 = vector.multi_reduction <add>, %mul3A_173, %reduce_sum3A_174 [1] : vector<4000x128xf32> to vector<4000xf32>
      %broadcast_in_dim3A_176 = vector.shape_cast %reduce_sum3A_175 : vector<4000xf32> to vector<4000x1xf32>
      %add3A_177 = arith.addf %get3A_168, %broadcast_in_dim3A_176 : vector<4000x1xf32>
      %swap3A_178 = arith.constant 0 : index
      %swap3A_179 = arith.constant 0 : index
      %swap3A_180 = vector.load %arg11[%swap3A_178, %swap3A_179] : memref<4000x1xf32, #tpu.memory_space<vmem>>, vector<4000x1xf32>
      tpu.vector_store %arg11[%swap3A_178, %swap3A_179], %add3A_177 {strides = array<i32>} : memref<4000x1xf32, #tpu.memory_space<vmem>>, vector<4000x1xf32>,
    } else {
    }
    %get3A_29 = arith.index_cast %arg0 : i32 to index
    %get3A_30 = arith.constant 1 : index
    %get3A_31 = memref.load %arg1[%get3A_29, %get3A_30] : memref<25x8xi32, #tpu.memory_space<smem>>
    %gt3A_32 = arith.constant 0 : i32
    %gt3A_33 = arith.cmpi sgt, %get3A_31, %gt3A_32 : i32
    %convert_element_type3A_34 = arith.extui %gt3A_33 : i1 to i32
    %cond3A_35 = arith.constant 0 : i32
    %cond3A_36 = arith.cmpi ne, %convert_element_type3A_34, %cond3A_35 : i32
    scf.if %cond3A_36 {
      %get3A_127 = arith.constant 0 : index
      %get3A_128 = arith.constant 128 : index
      %get3A_129 = vector.load %arg4[%get3A_127, %get3A_128] : memref<128x1024xf32, #tpu.memory_space<vmem>>, vector<128x128xf32>
      %dot_general3A = arith.constant dense<0.000000e+00> : vector<4000x128xf32>
      %dot_general3A_130 = tpu.matmul %get3A_21, %get3A_129, %dot_general3A {dimension_numbers = #tpu.dot_dimension_numbers<[1], [0], [0], [1], [0, 0, 1, 1], [], []>, transpose_lhs_hint = false} : vector<4000x128xf32>, vector<128x128xf32>, vector<4000x128xf32> -> vector<4000x128xf32>
      %get3A_131 = arith.constant 0 : index
      %get3A_132 = arith.constant 128 : index
      %get3A_133 = vector.load %arg5[%get3A_131, %get3A_132] : memref<128x1024xf32, #tpu.memory_space<vmem>>, vector<128x128xf32>
      %dot_general3A_134 = arith.constant dense<0.000000e+00> : vector<4000x128xf32>
      %dot_general3A_135 = tpu.matmul %get3A_21, %get3A_133, %dot_general3A_134 {dimension_numbers = #tpu.dot_dimension_numbers<[1], [0], [0], [1], [0, 0, 1, 1], [], []>, transpose_lhs_hint = false} : vector<4000x128xf32>, vector<128x128xf32>, vector<4000x128xf32> -> vector<4000x128xf32>
      %add3A_136 = arith.constant 128 : i32
      %add3A_137 = vector.broadcast %add3A_136 : i32 to vector<4000x128xi32>
      %add3A_138 = arith.addi %iota3A, %add3A_137 : vector<4000x128xi32>
      %broadcast_in_dim3A_139 = vector.shape_cast %get3A_18 : vector<4000xi32> to vector<4000x1xi32>
      %eq3A_140 = vector.broadcast %broadcast_in_dim3A_139 : vector<4000x1xi32> to vector<4000x128xi32>
      %eq3A_141 = arith.cmpi eq, %add3A_138, %eq3A_140 : vector<4000x128xi32>
      %convert_element_type3A_142 = arith.extui %eq3A_141 : vector<4000x128xi1> to vector<4000x128xi32>
      %convert_element_type3A_143 = arith.sitofp %convert_element_type3A_142 : vector<4000x128xi32> to vector<4000x128xf32>
      %get3A_144 = arith.constant 0 : index
      %get3A_145 = arith.constant 0 : index
      %get3A_146 = vector.load %arg9[%get3A_144, %get3A_145] : memref<4000x1xf32, #tpu.memory_space<vmem>>, vector<4000x1xf32>
      %mul3A_147 = arith.mulf %dot_general3A_130, %convert_element_type3A_143 : vector<4000x128xf32>
      %reduce_sum3A_148 = arith.constant dense<0.000000e+00> : vector<4000xf32>
      %reduce_sum3A_149 = vector.multi_reduction <add>, %mul3A_147, %reduce_sum3A_148 [1] : vector<4000x128xf32> to vector<4000xf32>
      %broadcast_in_dim3A_150 = vector.shape_cast %reduce_sum3A_149 : vector<4000xf32> to vector<4000x1xf32>
      %add3A_151 = arith.addf %get3A_146, %broadcast_in_dim3A_150 : vector<4000x1xf32>
      %swap3A_152 = arith.constant 0 : index
      %swap3A_153 = arith.constant 0 : index
      %swap3A_154 = vector.load %arg9[%swap3A_152, %swap3A_153] : memref<4000x1xf32, #tpu.memory_space<vmem>>, vector<4000x1xf32>
      tpu.vector_store %arg9[%swap3A_152, %swap3A_153], %add3A_151 {strides = array<i32>} : memref<4000x1xf32, #tpu.memory_space<vmem>>, vector<4000x1xf32>,
      %get3A_155 = arith.constant 0 : index
      %get3A_156 = arith.constant 0 : index
      %get3A_157 = vector.load %arg10[%get3A_155, %get3A_156] : memref<4000x1xf32, #tpu.memory_space<vmem>>, vector<4000x1xf32>
      %mul3A_158 = arith.mulf %dot_general3A_135, %convert_element_type3A_143 : vector<4000x128xf32>
      %reduce_sum3A_159 = arith.constant dense<0.000000e+00> : vector<4000xf32>
      %reduce_sum3A_160 = vector.multi_reduction <add>, %mul3A_158, %reduce_sum3A_159 [1] : vector<4000x128xf32> to vector<4000xf32>
      %broadcast_in_dim3A_161 = vector.shape_cast %reduce_sum3A_160 : vector<4000xf32> to vector<4000x1xf32>
      %add3A_162 = arith.addf %get3A_157, %broadcast_in_dim3A_161 : vector<4000x1xf32>
      %swap3A_163 = arith.constant 0 : index
      %swap3A_164 = arith.constant 0 : index
      %swap3A_165 = vector.load %arg10[%swap3A_163, %swap3A_164] : memref<4000x1xf32, #tpu.memory_space<vmem>>, vector<4000x1xf32>
      tpu.vector_store %arg10[%swap3A_163, %swap3A_164], %add3A_162 {strides = array<i32>} : memref<4000x1xf32, #tpu.memory_space<vmem>>, vector<4000x1xf32>,
      %get3A_166 = arith.constant 0 : index
      %get3A_167 = arith.constant 0 : index
      %get3A_168 = vector.load %arg11[%get3A_166, %get3A_167] : memref<4000x1xf32, #tpu.memory_space<vmem>>, vector<4000x1xf32>
      %get3A_169 = arith.constant 0 : index
      %get3A_170 = arith.constant 128 : index
      %get3A_171 = vector.load %arg6[%get3A_169, %get3A_170] : memref<8x1024xf32, #tpu.memory_space<vmem>>, vector<1x128xf32>
      %mul3A_172 = vector.broadcast %get3A_171 : vector<1x128xf32> to vector<4000x128xf32>
      %mul3A_173 = arith.mulf %convert_element_type3A_143, %mul3A_172 : vector<4000x128xf32>
      %reduce_sum3A_174 = arith.constant dense<0.000000e+00> : vector<4000xf32>
      %reduce_sum3A_175 = vector.multi_reduction <add>, %mul3A_173, %reduce_sum3A_174 [1] : vector<4000x128xf32> to vector<4000xf32>
      %broadcast_in_dim3A_176 = vector.shape_cast %reduce_sum3A_175 : vector<4000xf32> to vector<4000x1xf32>
      %add3A_177 = arith.addf %get3A_168, %broadcast_in_dim3A_176 : vector<4000x1xf32>
      %swap3A_178 = arith.constant 0 : index
      %swap3A_179 = arith.constant 0 : index
      %swap3A_180 = vector.load %arg11[%swap3A_178, %swap3A_179] : memref<4000x1xf32, #tpu.memory_space<vmem>>, vector<4000x1xf32>
      tpu.vector_store %arg11[%swap3A_178, %swap3A_179], %add3A_177 {strides = array<i32>} : memref<4000x1xf32, #tpu.memory_space<vmem>>, vector<4000x1xf32>,
    } else {
    }
    %get3A_37 = arith.index_cast %arg0 : i32 to index
    %get3A_38 = arith.constant 2 : index
    %get3A_39 = memref.load %arg1[%get3A_37, %get3A_38] : memref<25x8xi32, #tpu.memory_space<smem>>
    %gt3A_40 = arith.constant 0 : i32
    %gt3A_41 = arith.cmpi sgt, %get3A_39, %gt3A_40 : i32
    %convert_element_type3A_42 = arith.extui %gt3A_41 : i1 to i32
    %cond3A_43 = arith.constant 0 : i32
    %cond3A_44 = arith.cmpi ne, %convert_element_type3A_42, %cond3A_43 : i32
    scf.if %cond3A_44 {
      %get3A_127 = arith.constant 0 : index
      %get3A_128 = arith.constant 256 : index
      %get3A_129 = vector.load %arg4[%get3A_127, %get3A_128] : memref<128x1024xf32, #tpu.memory_space<vmem>>, vector<128x128xf32>
      %dot_general3A = arith.constant dense<0.000000e+00> : vector<4000x128xf32>
      %dot_general3A_130 = tpu.matmul %get3A_21, %get3A_129, %dot_general3A {dimension_numbers = #tpu.dot_dimension_numbers<[1], [0], [0], [1], [0, 0, 1, 1], [], []>, transpose_lhs_hint = false} : vector<4000x128xf32>, vector<128x128xf32>, vector<4000x128xf32> -> vector<4000x128xf32>
      %get3A_131 = arith.constant 0 : index
      %get3A_132 = arith.constant 256 : index
      %get3A_133 = vector.load %arg5[%get3A_131, %get3A_132] : memref<128x1024xf32, #tpu.memory_space<vmem>>, vector<128x128xf32>
      %dot_general3A_134 = arith.constant dense<0.000000e+00> : vector<4000x128xf32>
      %dot_general3A_135 = tpu.matmul %get3A_21, %get3A_133, %dot_general3A_134 {dimension_numbers = #tpu.dot_dimension_numbers<[1], [0], [0], [1], [0, 0, 1, 1], [], []>, transpose_lhs_hint = false} : vector<4000x128xf32>, vector<128x128xf32>, vector<4000x128xf32> -> vector<4000x128xf32>
      %add3A_136 = arith.constant 256 : i32
      %add3A_137 = vector.broadcast %add3A_136 : i32 to vector<4000x128xi32>
      %add3A_138 = arith.addi %iota3A, %add3A_137 : vector<4000x128xi32>
      %broadcast_in_dim3A_139 = vector.shape_cast %get3A_18 : vector<4000xi32> to vector<4000x1xi32>
      %eq3A_140 = vector.broadcast %broadcast_in_dim3A_139 : vector<4000x1xi32> to vector<4000x128xi32>
      %eq3A_141 = arith.cmpi eq, %add3A_138, %eq3A_140 : vector<4000x128xi32>
      %convert_element_type3A_142 = arith.extui %eq3A_141 : vector<4000x128xi1> to vector<4000x128xi32>
      %convert_element_type3A_143 = arith.sitofp %convert_element_type3A_142 : vector<4000x128xi32> to vector<4000x128xf32>
      %get3A_144 = arith.constant 0 : index
      %get3A_145 = arith.constant 0 : index
      %get3A_146 = vector.load %arg9[%get3A_144, %get3A_145] : memref<4000x1xf32, #tpu.memory_space<vmem>>, vector<4000x1xf32>
      %mul3A_147 = arith.mulf %dot_general3A_130, %convert_element_type3A_143 : vector<4000x128xf32>
      %reduce_sum3A_148 = arith.constant dense<0.000000e+00> : vector<4000xf32>
      %reduce_sum3A_149 = vector.multi_reduction <add>, %mul3A_147, %reduce_sum3A_148 [1] : vector<4000x128xf32> to vector<4000xf32>
      %broadcast_in_dim3A_150 = vector.shape_cast %reduce_sum3A_149 : vector<4000xf32> to vector<4000x1xf32>
      %add3A_151 = arith.addf %get3A_146, %broadcast_in_dim3A_150 : vector<4000x1xf32>
      %swap3A_152 = arith.constant 0 : index
      %swap3A_153 = arith.constant 0 : index
      %swap3A_154 = vector.load %arg9[%swap3A_152, %swap3A_153] : memref<4000x1xf32, #tpu.memory_space<vmem>>, vector<4000x1xf32>
      tpu.vector_store %arg9[%swap3A_152, %swap3A_153], %add3A_151 {strides = array<i32>} : memref<4000x1xf32, #tpu.memory_space<vmem>>, vector<4000x1xf32>,
      %get3A_155 = arith.constant 0 : index
      %get3A_156 = arith.constant 0 : index
      %get3A_157 = vector.load %arg10[%get3A_155, %get3A_156] : memref<4000x1xf32, #tpu.memory_space<vmem>>, vector<4000x1xf32>
      %mul3A_158 = arith.mulf %dot_general3A_135, %convert_element_type3A_143 : vector<4000x128xf32>
      %reduce_sum3A_159 = arith.constant dense<0.000000e+00> : vector<4000xf32>
      %reduce_sum3A_160 = vector.multi_reduction <add>, %mul3A_158, %reduce_sum3A_159 [1] : vector<4000x128xf32> to vector<4000xf32>
      %broadcast_in_dim3A_161 = vector.shape_cast %reduce_sum3A_160 : vector<4000xf32> to vector<4000x1xf32>
      %add3A_162 = arith.addf %get3A_157, %broadcast_in_dim3A_161 : vector<4000x1xf32>
      %swap3A_163 = arith.constant 0 : index
      %swap3A_164 = arith.constant 0 : index
      %swap3A_165 = vector.load %arg10[%swap3A_163, %swap3A_164] : memref<4000x1xf32, #tpu.memory_space<vmem>>, vector<4000x1xf32>
      tpu.vector_store %arg10[%swap3A_163, %swap3A_164], %add3A_162 {strides = array<i32>} : memref<4000x1xf32, #tpu.memory_space<vmem>>, vector<4000x1xf32>,
      %get3A_166 = arith.constant 0 : index
      %get3A_167 = arith.constant 0 : index
      %get3A_168 = vector.load %arg11[%get3A_166, %get3A_167] : memref<4000x1xf32, #tpu.memory_space<vmem>>, vector<4000x1xf32>
      %get3A_169 = arith.constant 0 : index
      %get3A_170 = arith.constant 256 : index
      %get3A_171 = vector.load %arg6[%get3A_169, %get3A_170] : memref<8x1024xf32, #tpu.memory_space<vmem>>, vector<1x128xf32>
      %mul3A_172 = vector.broadcast %get3A_171 : vector<1x128xf32> to vector<4000x128xf32>
      %mul3A_173 = arith.mulf %convert_element_type3A_143, %mul3A_172 : vector<4000x128xf32>
      %reduce_sum3A_174 = arith.constant dense<0.000000e+00> : vector<4000xf32>
      %reduce_sum3A_175 = vector.multi_reduction <add>, %mul3A_173, %reduce_sum3A_174 [1] : vector<4000x128xf32> to vector<4000xf32>
      %broadcast_in_dim3A_176 = vector.shape_cast %reduce_sum3A_175 : vector<4000xf32> to vector<4000x1xf32>
      %add3A_177 = arith.addf %get3A_168, %broadcast_in_dim3A_176 : vector<4000x1xf32>
      %swap3A_178 = arith.constant 0 : index
      %swap3A_179 = arith.constant 0 : index
      %swap3A_180 = vector.load %arg11[%swap3A_178, %swap3A_179] : memref<4000x1xf32, #tpu.memory_space<vmem>>, vector<4000x1xf32>
      tpu.vector_store %arg11[%swap3A_178, %swap3A_179], %add3A_177 {strides = array<i32>} : memref<4000x1xf32, #tpu.memory_space<vmem>>, vector<4000x1xf32>,
    } else {
    }
    %get3A_45 = arith.index_cast %arg0 : i32 to index
    %get3A_46 = arith.constant 3 : index
    %get3A_47 = memref.load %arg1[%get3A_45, %get3A_46] : memref<25x8xi32, #tpu.memory_space<smem>>
    %gt3A_48 = arith.constant 0 : i32
    %gt3A_49 = arith.cmpi sgt, %get3A_47, %gt3A_48 : i32
    %convert_element_type3A_50 = arith.extui %gt3A_49 : i1 to i32
    %cond3A_51 = arith.constant 0 : i32
    %cond3A_52 = arith.cmpi ne, %convert_element_type3A_50, %cond3A_51 : i32
    scf.if %cond3A_52 {
      %get3A_127 = arith.constant 0 : index
      %get3A_128 = arith.constant 384 : index
      %get3A_129 = vector.load %arg4[%get3A_127, %get3A_128] : memref<128x1024xf32, #tpu.memory_space<vmem>>, vector<128x128xf32>
      %dot_general3A = arith.constant dense<0.000000e+00> : vector<4000x128xf32>
      %dot_general3A_130 = tpu.matmul %get3A_21, %get3A_129, %dot_general3A {dimension_numbers = #tpu.dot_dimension_numbers<[1], [0], [0], [1], [0, 0, 1, 1], [], []>, transpose_lhs_hint = false} : vector<4000x128xf32>, vector<128x128xf32>, vector<4000x128xf32> -> vector<4000x128xf32>
      %get3A_131 = arith.constant 0 : index
      %get3A_132 = arith.constant 384 : index
      %get3A_133 = vector.load %arg5[%get3A_131, %get3A_132] : memref<128x1024xf32, #tpu.memory_space<vmem>>, vector<128x128xf32>
      %dot_general3A_134 = arith.constant dense<0.000000e+00> : vector<4000x128xf32>
      %dot_general3A_135 = tpu.matmul %get3A_21, %get3A_133, %dot_general3A_134 {dimension_numbers = #tpu.dot_dimension_numbers<[1], [0], [0], [1], [0, 0, 1, 1], [], []>, transpose_lhs_hint = false} : vector<4000x128xf32>, vector<128x128xf32>, vector<4000x128xf32> -> vector<4000x128xf32>
      %add3A_136 = arith.constant 384 : i32
      %add3A_137 = vector.broadcast %add3A_136 : i32 to vector<4000x128xi32>
      %add3A_138 = arith.addi %iota3A, %add3A_137 : vector<4000x128xi32>
      %broadcast_in_dim3A_139 = vector.shape_cast %get3A_18 : vector<4000xi32> to vector<4000x1xi32>
      %eq3A_140 = vector.broadcast %broadcast_in_dim3A_139 : vector<4000x1xi32> to vector<4000x128xi32>
      %eq3A_141 = arith.cmpi eq, %add3A_138, %eq3A_140 : vector<4000x128xi32>
      %convert_element_type3A_142 = arith.extui %eq3A_141 : vector<4000x128xi1> to vector<4000x128xi32>
      %convert_element_type3A_143 = arith.sitofp %convert_element_type3A_142 : vector<4000x128xi32> to vector<4000x128xf32>
      %get3A_144 = arith.constant 0 : index
      %get3A_145 = arith.constant 0 : index
      %get3A_146 = vector.load %arg9[%get3A_144, %get3A_145] : memref<4000x1xf32, #tpu.memory_space<vmem>>, vector<4000x1xf32>
      %mul3A_147 = arith.mulf %dot_general3A_130, %convert_element_type3A_143 : vector<4000x128xf32>
      %reduce_sum3A_148 = arith.constant dense<0.000000e+00> : vector<4000xf32>
      %reduce_sum3A_149 = vector.multi_reduction <add>, %mul3A_147, %reduce_sum3A_148 [1] : vector<4000x128xf32> to vector<4000xf32>
      %broadcast_in_dim3A_150 = vector.shape_cast %reduce_sum3A_149 : vector<4000xf32> to vector<4000x1xf32>
      %add3A_151 = arith.addf %get3A_146, %broadcast_in_dim3A_150 : vector<4000x1xf32>
      %swap3A_152 = arith.constant 0 : index
      %swap3A_153 = arith.constant 0 : index
      %swap3A_154 = vector.load %arg9[%swap3A_152, %swap3A_153] : memref<4000x1xf32, #tpu.memory_space<vmem>>, vector<4000x1xf32>
      tpu.vector_store %arg9[%swap3A_152, %swap3A_153], %add3A_151 {strides = array<i32>} : memref<4000x1xf32, #tpu.memory_space<vmem>>, vector<4000x1xf32>,
      %get3A_155 = arith.constant 0 : index
      %get3A_156 = arith.constant 0 : index
      %get3A_157 = vector.load %arg10[%get3A_155, %get3A_156] : memref<4000x1xf32, #tpu.memory_space<vmem>>, vector<4000x1xf32>
      %mul3A_158 = arith.mulf %dot_general3A_135, %convert_element_type3A_143 : vector<4000x128xf32>
      %reduce_sum3A_159 = arith.constant dense<0.000000e+00> : vector<4000xf32>
      %reduce_sum3A_160 = vector.multi_reduction <add>, %mul3A_158, %reduce_sum3A_159 [1] : vector<4000x128xf32> to vector<4000xf32>
      %broadcast_in_dim3A_161 = vector.shape_cast %reduce_sum3A_160 : vector<4000xf32> to vector<4000x1xf32>
      %add3A_162 = arith.addf %get3A_157, %broadcast_in_dim3A_161 : vector<4000x1xf32>
      %swap3A_163 = arith.constant 0 : index
      %swap3A_164 = arith.constant 0 : index
      %swap3A_165 = vector.load %arg10[%swap3A_163, %swap3A_164] : memref<4000x1xf32, #tpu.memory_space<vmem>>, vector<4000x1xf32>
      tpu.vector_store %arg10[%swap3A_163, %swap3A_164], %add3A_162 {strides = array<i32>} : memref<4000x1xf32, #tpu.memory_space<vmem>>, vector<4000x1xf32>,
      %get3A_166 = arith.constant 0 : index
      %get3A_167 = arith.constant 0 : index
      %get3A_168 = vector.load %arg11[%get3A_166, %get3A_167] : memref<4000x1xf32, #tpu.memory_space<vmem>>, vector<4000x1xf32>
      %get3A_169 = arith.constant 0 : index
      %get3A_170 = arith.constant 384 : index
      %get3A_171 = vector.load %arg6[%get3A_169, %get3A_170] : memref<8x1024xf32, #tpu.memory_space<vmem>>, vector<1x128xf32>
      %mul3A_172 = vector.broadcast %get3A_171 : vector<1x128xf32> to vector<4000x128xf32>
      %mul3A_173 = arith.mulf %convert_element_type3A_143, %mul3A_172 : vector<4000x128xf32>
      %reduce_sum3A_174 = arith.constant dense<0.000000e+00> : vector<4000xf32>
      %reduce_sum3A_175 = vector.multi_reduction <add>, %mul3A_173, %reduce_sum3A_174 [1] : vector<4000x128xf32> to vector<4000xf32>
      %broadcast_in_dim3A_176 = vector.shape_cast %reduce_sum3A_175 : vector<4000xf32> to vector<4000x1xf32>
      %add3A_177 = arith.addf %get3A_168, %broadcast_in_dim3A_176 : vector<4000x1xf32>
      %swap3A_178 = arith.constant 0 : index
      %swap3A_179 = arith.constant 0 : index
      %swap3A_180 = vector.load %arg11[%swap3A_178, %swap3A_179] : memref<4000x1xf32, #tpu.memory_space<vmem>>, vector<4000x1xf32>
      tpu.vector_store %arg11[%swap3A_178, %swap3A_179], %add3A_177 {strides = array<i32>} : memref<4000x1xf32, #tpu.memory_space<vmem>>, vector<4000x1xf32>,
    } else {
    }
    %get3A_53 = arith.index_cast %arg0 : i32 to index
    %get3A_54 = arith.constant 4 : index
    %get3A_55 = memref.load %arg1[%get3A_53, %get3A_54] : memref<25x8xi32, #tpu.memory_space<smem>>
    %gt3A_56 = arith.constant 0 : i32
    %gt3A_57 = arith.cmpi sgt, %get3A_55, %gt3A_56 : i32
    %convert_element_type3A_58 = arith.extui %gt3A_57 : i1 to i32
    %cond3A_59 = arith.constant 0 : i32
    %cond3A_60 = arith.cmpi ne, %convert_element_type3A_58, %cond3A_59 : i32
    scf.if %cond3A_60 {
      %get3A_127 = arith.constant 0 : index
      %get3A_128 = arith.constant 512 : index
      %get3A_129 = vector.load %arg4[%get3A_127, %get3A_128] : memref<128x1024xf32, #tpu.memory_space<vmem>>, vector<128x128xf32>
      %dot_general3A = arith.constant dense<0.000000e+00> : vector<4000x128xf32>
      %dot_general3A_130 = tpu.matmul %get3A_21, %get3A_129, %dot_general3A {dimension_numbers = #tpu.dot_dimension_numbers<[1], [0], [0], [1], [0, 0, 1, 1], [], []>, transpose_lhs_hint = false} : vector<4000x128xf32>, vector<128x128xf32>, vector<4000x128xf32> -> vector<4000x128xf32>
      %get3A_131 = arith.constant 0 : index
      %get3A_132 = arith.constant 512 : index
      %get3A_133 = vector.load %arg5[%get3A_131, %get3A_132] : memref<128x1024xf32, #tpu.memory_space<vmem>>, vector<128x128xf32>
      %dot_general3A_134 = arith.constant dense<0.000000e+00> : vector<4000x128xf32>
      %dot_general3A_135 = tpu.matmul %get3A_21, %get3A_133, %dot_general3A_134 {dimension_numbers = #tpu.dot_dimension_numbers<[1], [0], [0], [1], [0, 0, 1, 1], [], []>, transpose_lhs_hint = false} : vector<4000x128xf32>, vector<128x128xf32>, vector<4000x128xf32> -> vector<4000x128xf32>
      %add3A_136 = arith.constant 512 : i32
      %add3A_137 = vector.broadcast %add3A_136 : i32 to vector<4000x128xi32>
      %add3A_138 = arith.addi %iota3A, %add3A_137 : vector<4000x128xi32>
      %broadcast_in_dim3A_139 = vector.shape_cast %get3A_18 : vector<4000xi32> to vector<4000x1xi32>
      %eq3A_140 = vector.broadcast %broadcast_in_dim3A_139 : vector<4000x1xi32> to vector<4000x128xi32>
      %eq3A_141 = arith.cmpi eq, %add3A_138, %eq3A_140 : vector<4000x128xi32>
      %convert_element_type3A_142 = arith.extui %eq3A_141 : vector<4000x128xi1> to vector<4000x128xi32>
      %convert_element_type3A_143 = arith.sitofp %convert_element_type3A_142 : vector<4000x128xi32> to vector<4000x128xf32>
      %get3A_144 = arith.constant 0 : index
      %get3A_145 = arith.constant 0 : index
      %get3A_146 = vector.load %arg9[%get3A_144, %get3A_145] : memref<4000x1xf32, #tpu.memory_space<vmem>>, vector<4000x1xf32>
      %mul3A_147 = arith.mulf %dot_general3A_130, %convert_element_type3A_143 : vector<4000x128xf32>
      %reduce_sum3A_148 = arith.constant dense<0.000000e+00> : vector<4000xf32>
      %reduce_sum3A_149 = vector.multi_reduction <add>, %mul3A_147, %reduce_sum3A_148 [1] : vector<4000x128xf32> to vector<4000xf32>
      %broadcast_in_dim3A_150 = vector.shape_cast %reduce_sum3A_149 : vector<4000xf32> to vector<4000x1xf32>
      %add3A_151 = arith.addf %get3A_146, %broadcast_in_dim3A_150 : vector<4000x1xf32>
      %swap3A_152 = arith.constant 0 : index
      %swap3A_153 = arith.constant 0 : index
      %swap3A_154 = vector.load %arg9[%swap3A_152, %swap3A_153] : memref<4000x1xf32, #tpu.memory_space<vmem>>, vector<4000x1xf32>
      tpu.vector_store %arg9[%swap3A_152, %swap3A_153], %add3A_151 {strides = array<i32>} : memref<4000x1xf32, #tpu.memory_space<vmem>>, vector<4000x1xf32>,
      %get3A_155 = arith.constant 0 : index
      %get3A_156 = arith.constant 0 : index
      %get3A_157 = vector.load %arg10[%get3A_155, %get3A_156] : memref<4000x1xf32, #tpu.memory_space<vmem>>, vector<4000x1xf32>
      %mul3A_158 = arith.mulf %dot_general3A_135, %convert_element_type3A_143 : vector<4000x128xf32>
      %reduce_sum3A_159 = arith.constant dense<0.000000e+00> : vector<4000xf32>
      %reduce_sum3A_160 = vector.multi_reduction <add>, %mul3A_158, %reduce_sum3A_159 [1] : vector<4000x128xf32> to vector<4000xf32>
      %broadcast_in_dim3A_161 = vector.shape_cast %reduce_sum3A_160 : vector<4000xf32> to vector<4000x1xf32>
      %add3A_162 = arith.addf %get3A_157, %broadcast_in_dim3A_161 : vector<4000x1xf32>
      %swap3A_163 = arith.constant 0 : index
      %swap3A_164 = arith.constant 0 : index
      %swap3A_165 = vector.load %arg10[%swap3A_163, %swap3A_164] : memref<4000x1xf32, #tpu.memory_space<vmem>>, vector<4000x1xf32>
      tpu.vector_store %arg10[%swap3A_163, %swap3A_164], %add3A_162 {strides = array<i32>} : memref<4000x1xf32, #tpu.memory_space<vmem>>, vector<4000x1xf32>,
      %get3A_166 = arith.constant 0 : index
      %get3A_167 = arith.constant 0 : index
      %get3A_168 = vector.load %arg11[%get3A_166, %get3A_167] : memref<4000x1xf32, #tpu.memory_space<vmem>>, vector<4000x1xf32>
      %get3A_169 = arith.constant 0 : index
      %get3A_170 = arith.constant 512 : index
      %get3A_171 = vector.load %arg6[%get3A_169, %get3A_170] : memref<8x1024xf32, #tpu.memory_space<vmem>>, vector<1x128xf32>
      %mul3A_172 = vector.broadcast %get3A_171 : vector<1x128xf32> to vector<4000x128xf32>
      %mul3A_173 = arith.mulf %convert_element_type3A_143, %mul3A_172 : vector<4000x128xf32>
      %reduce_sum3A_174 = arith.constant dense<0.000000e+00> : vector<4000xf32>
      %reduce_sum3A_175 = vector.multi_reduction <add>, %mul3A_173, %reduce_sum3A_174 [1] : vector<4000x128xf32> to vector<4000xf32>
      %broadcast_in_dim3A_176 = vector.shape_cast %reduce_sum3A_175 : vector<4000xf32> to vector<4000x1xf32>
      %add3A_177 = arith.addf %get3A_168, %broadcast_in_dim3A_176 : vector<4000x1xf32>
      %swap3A_178 = arith.constant 0 : index
      %swap3A_179 = arith.constant 0 : index
      %swap3A_180 = vector.load %arg11[%swap3A_178, %swap3A_179] : memref<4000x1xf32, #tpu.memory_space<vmem>>, vector<4000x1xf32>
      tpu.vector_store %arg11[%swap3A_178, %swap3A_179], %add3A_177 {strides = array<i32>} : memref<4000x1xf32, #tpu.memory_space<vmem>>, vector<4000x1xf32>,
    } else {
    }
    %get3A_61 = arith.index_cast %arg0 : i32 to index
    %get3A_62 = arith.constant 5 : index
    %get3A_63 = memref.load %arg1[%get3A_61, %get3A_62] : memref<25x8xi32, #tpu.memory_space<smem>>
    %gt3A_64 = arith.constant 0 : i32
    %gt3A_65 = arith.cmpi sgt, %get3A_63, %gt3A_64 : i32
    %convert_element_type3A_66 = arith.extui %gt3A_65 : i1 to i32
    %cond3A_67 = arith.constant 0 : i32
    %cond3A_68 = arith.cmpi ne, %convert_element_type3A_66, %cond3A_67 : i32
    scf.if %cond3A_68 {
      %get3A_127 = arith.constant 0 : index
      %get3A_128 = arith.constant 640 : index
      %get3A_129 = vector.load %arg4[%get3A_127, %get3A_128] : memref<128x1024xf32, #tpu.memory_space<vmem>>, vector<128x128xf32>
      %dot_general3A = arith.constant dense<0.000000e+00> : vector<4000x128xf32>
      %dot_general3A_130 = tpu.matmul %get3A_21, %get3A_129, %dot_general3A {dimension_numbers = #tpu.dot_dimension_numbers<[1], [0], [0], [1], [0, 0, 1, 1], [], []>, transpose_lhs_hint = false} : vector<4000x128xf32>, vector<128x128xf32>, vector<4000x128xf32> -> vector<4000x128xf32>
      %get3A_131 = arith.constant 0 : index
      %get3A_132 = arith.constant 640 : index
      %get3A_133 = vector.load %arg5[%get3A_131, %get3A_132] : memref<128x1024xf32, #tpu.memory_space<vmem>>, vector<128x128xf32>
      %dot_general3A_134 = arith.constant dense<0.000000e+00> : vector<4000x128xf32>
      %dot_general3A_135 = tpu.matmul %get3A_21, %get3A_133, %dot_general3A_134 {dimension_numbers = #tpu.dot_dimension_numbers<[1], [0], [0], [1], [0, 0, 1, 1], [], []>, transpose_lhs_hint = false} : vector<4000x128xf32>, vector<128x128xf32>, vector<4000x128xf32> -> vector<4000x128xf32>
      %add3A_136 = arith.constant 640 : i32
      %add3A_137 = vector.broadcast %add3A_136 : i32 to vector<4000x128xi32>
      %add3A_138 = arith.addi %iota3A, %add3A_137 : vector<4000x128xi32>
      %broadcast_in_dim3A_139 = vector.shape_cast %get3A_18 : vector<4000xi32> to vector<4000x1xi32>
      %eq3A_140 = vector.broadcast %broadcast_in_dim3A_139 : vector<4000x1xi32> to vector<4000x128xi32>
      %eq3A_141 = arith.cmpi eq, %add3A_138, %eq3A_140 : vector<4000x128xi32>
      %convert_element_type3A_142 = arith.extui %eq3A_141 : vector<4000x128xi1> to vector<4000x128xi32>
      %convert_element_type3A_143 = arith.sitofp %convert_element_type3A_142 : vector<4000x128xi32> to vector<4000x128xf32>
      %get3A_144 = arith.constant 0 : index
      %get3A_145 = arith.constant 0 : index
      %get3A_146 = vector.load %arg9[%get3A_144, %get3A_145] : memref<4000x1xf32, #tpu.memory_space<vmem>>, vector<4000x1xf32>
      %mul3A_147 = arith.mulf %dot_general3A_130, %convert_element_type3A_143 : vector<4000x128xf32>
      %reduce_sum3A_148 = arith.constant dense<0.000000e+00> : vector<4000xf32>
      %reduce_sum3A_149 = vector.multi_reduction <add>, %mul3A_147, %reduce_sum3A_148 [1] : vector<4000x128xf32> to vector<4000xf32>
      %broadcast_in_dim3A_150 = vector.shape_cast %reduce_sum3A_149 : vector<4000xf32> to vector<4000x1xf32>
      %add3A_151 = arith.addf %get3A_146, %broadcast_in_dim3A_150 : vector<4000x1xf32>
      %swap3A_152 = arith.constant 0 : index
      %swap3A_153 = arith.constant 0 : index
      %swap3A_154 = vector.load %arg9[%swap3A_152, %swap3A_153] : memref<4000x1xf32, #tpu.memory_space<vmem>>, vector<4000x1xf32>
      tpu.vector_store %arg9[%swap3A_152, %swap3A_153], %add3A_151 {strides = array<i32>} : memref<4000x1xf32, #tpu.memory_space<vmem>>, vector<4000x1xf32>,
      %get3A_155 = arith.constant 0 : index
      %get3A_156 = arith.constant 0 : index
      %get3A_157 = vector.load %arg10[%get3A_155, %get3A_156] : memref<4000x1xf32, #tpu.memory_space<vmem>>, vector<4000x1xf32>
      %mul3A_158 = arith.mulf %dot_general3A_135, %convert_element_type3A_143 : vector<4000x128xf32>
      %reduce_sum3A_159 = arith.constant dense<0.000000e+00> : vector<4000xf32>
      %reduce_sum3A_160 = vector.multi_reduction <add>, %mul3A_158, %reduce_sum3A_159 [1] : vector<4000x128xf32> to vector<4000xf32>
      %broadcast_in_dim3A_161 = vector.shape_cast %reduce_sum3A_160 : vector<4000xf32> to vector<4000x1xf32>
      %add3A_162 = arith.addf %get3A_157, %broadcast_in_dim3A_161 : vector<4000x1xf32>
      %swap3A_163 = arith.constant 0 : index
      %swap3A_164 = arith.constant 0 : index
      %swap3A_165 = vector.load %arg10[%swap3A_163, %swap3A_164] : memref<4000x1xf32, #tpu.memory_space<vmem>>, vector<4000x1xf32>
      tpu.vector_store %arg10[%swap3A_163, %swap3A_164], %add3A_162 {strides = array<i32>} : memref<4000x1xf32, #tpu.memory_space<vmem>>, vector<4000x1xf32>,
      %get3A_166 = arith.constant 0 : index
      %get3A_167 = arith.constant 0 : index
      %get3A_168 = vector.load %arg11[%get3A_166, %get3A_167] : memref<4000x1xf32, #tpu.memory_space<vmem>>, vector<4000x1xf32>
      %get3A_169 = arith.constant 0 : index
      %get3A_170 = arith.constant 640 : index
      %get3A_171 = vector.load %arg6[%get3A_169, %get3A_170] : memref<8x1024xf32, #tpu.memory_space<vmem>>, vector<1x128xf32>
      %mul3A_172 = vector.broadcast %get3A_171 : vector<1x128xf32> to vector<4000x128xf32>
      %mul3A_173 = arith.mulf %convert_element_type3A_143, %mul3A_172 : vector<4000x128xf32>
      %reduce_sum3A_174 = arith.constant dense<0.000000e+00> : vector<4000xf32>
      %reduce_sum3A_175 = vector.multi_reduction <add>, %mul3A_173, %reduce_sum3A_174 [1] : vector<4000x128xf32> to vector<4000xf32>
      %broadcast_in_dim3A_176 = vector.shape_cast %reduce_sum3A_175 : vector<4000xf32> to vector<4000x1xf32>
      %add3A_177 = arith.addf %get3A_168, %broadcast_in_dim3A_176 : vector<4000x1xf32>
      %swap3A_178 = arith.constant 0 : index
      %swap3A_179 = arith.constant 0 : index
      %swap3A_180 = vector.load %arg11[%swap3A_178, %swap3A_179] : memref<4000x1xf32, #tpu.memory_space<vmem>>, vector<4000x1xf32>
      tpu.vector_store %arg11[%swap3A_178, %swap3A_179], %add3A_177 {strides = array<i32>} : memref<4000x1xf32, #tpu.memory_space<vmem>>, vector<4000x1xf32>,
    } else {
    }
    %get3A_69 = arith.index_cast %arg0 : i32 to index
    %get3A_70 = arith.constant 6 : index
    %get3A_71 = memref.load %arg1[%get3A_69, %get3A_70] : memref<25x8xi32, #tpu.memory_space<smem>>
    %gt3A_72 = arith.constant 0 : i32
    %gt3A_73 = arith.cmpi sgt, %get3A_71, %gt3A_72 : i32
    %convert_element_type3A_74 = arith.extui %gt3A_73 : i1 to i32
    %cond3A_75 = arith.constant 0 : i32
    %cond3A_76 = arith.cmpi ne, %convert_element_type3A_74, %cond3A_75 : i32
    scf.if %cond3A_76 {
      %get3A_127 = arith.constant 0 : index
      %get3A_128 = arith.constant 768 : index
      %get3A_129 = vector.load %arg4[%get3A_127, %get3A_128] : memref<128x1024xf32, #tpu.memory_space<vmem>>, vector<128x128xf32>
      %dot_general3A = arith.constant dense<0.000000e+00> : vector<4000x128xf32>
      %dot_general3A_130 = tpu.matmul %get3A_21, %get3A_129, %dot_general3A {dimension_numbers = #tpu.dot_dimension_numbers<[1], [0], [0], [1], [0, 0, 1, 1], [], []>, transpose_lhs_hint = false} : vector<4000x128xf32>, vector<128x128xf32>, vector<4000x128xf32> -> vector<4000x128xf32>
      %get3A_131 = arith.constant 0 : index
      %get3A_132 = arith.constant 768 : index
      %get3A_133 = vector.load %arg5[%get3A_131, %get3A_132] : memref<128x1024xf32, #tpu.memory_space<vmem>>, vector<128x128xf32>
      %dot_general3A_134 = arith.constant dense<0.000000e+00> : vector<4000x128xf32>
      %dot_general3A_135 = tpu.matmul %get3A_21, %get3A_133, %dot_general3A_134 {dimension_numbers = #tpu.dot_dimension_numbers<[1], [0], [0], [1], [0, 0, 1, 1], [], []>, transpose_lhs_hint = false} : vector<4000x128xf32>, vector<128x128xf32>, vector<4000x128xf32> -> vector<4000x128xf32>
      %add3A_136 = arith.constant 768 : i32
      %add3A_137 = vector.broadcast %add3A_136 : i32 to vector<4000x128xi32>
      %add3A_138 = arith.addi %iota3A, %add3A_137 : vector<4000x128xi32>
      %broadcast_in_dim3A_139 = vector.shape_cast %get3A_18 : vector<4000xi32> to vector<4000x1xi32>
      %eq3A_140 = vector.broadcast %broadcast_in_dim3A_139 : vector<4000x1xi32> to vector<4000x128xi32>
      %eq3A_141 = arith.cmpi eq, %add3A_138, %eq3A_140 : vector<4000x128xi32>
      %convert_element_type3A_142 = arith.extui %eq3A_141 : vector<4000x128xi1> to vector<4000x128xi32>
      %convert_element_type3A_143 = arith.sitofp %convert_element_type3A_142 : vector<4000x128xi32> to vector<4000x128xf32>
      %get3A_144 = arith.constant 0 : index
      %get3A_145 = arith.constant 0 : index
      %get3A_146 = vector.load %arg9[%get3A_144, %get3A_145] : memref<4000x1xf32, #tpu.memory_space<vmem>>, vector<4000x1xf32>
      %mul3A_147 = arith.mulf %dot_general3A_130, %convert_element_type3A_143 : vector<4000x128xf32>
      %reduce_sum3A_148 = arith.constant dense<0.000000e+00> : vector<4000xf32>
      %reduce_sum3A_149 = vector.multi_reduction <add>, %mul3A_147, %reduce_sum3A_148 [1] : vector<4000x128xf32> to vector<4000xf32>
      %broadcast_in_dim3A_150 = vector.shape_cast %reduce_sum3A_149 : vector<4000xf32> to vector<4000x1xf32>
      %add3A_151 = arith.addf %get3A_146, %broadcast_in_dim3A_150 : vector<4000x1xf32>
      %swap3A_152 = arith.constant 0 : index
      %swap3A_153 = arith.constant 0 : index
      %swap3A_154 = vector.load %arg9[%swap3A_152, %swap3A_153] : memref<4000x1xf32, #tpu.memory_space<vmem>>, vector<4000x1xf32>
      tpu.vector_store %arg9[%swap3A_152, %swap3A_153], %add3A_151 {strides = array<i32>} : memref<4000x1xf32, #tpu.memory_space<vmem>>, vector<4000x1xf32>,
      %get3A_155 = arith.constant 0 : index
      %get3A_156 = arith.constant 0 : index
      %get3A_157 = vector.load %arg10[%get3A_155, %get3A_156] : memref<4000x1xf32, #tpu.memory_space<vmem>>, vector<4000x1xf32>
      %mul3A_158 = arith.mulf %dot_general3A_135, %convert_element_type3A_143 : vector<4000x128xf32>
      %reduce_sum3A_159 = arith.constant dense<0.000000e+00> : vector<4000xf32>
      %reduce_sum3A_160 = vector.multi_reduction <add>, %mul3A_158, %reduce_sum3A_159 [1] : vector<4000x128xf32> to vector<4000xf32>
      %broadcast_in_dim3A_161 = vector.shape_cast %reduce_sum3A_160 : vector<4000xf32> to vector<4000x1xf32>
      %add3A_162 = arith.addf %get3A_157, %broadcast_in_dim3A_161 : vector<4000x1xf32>
      %swap3A_163 = arith.constant 0 : index
      %swap3A_164 = arith.constant 0 : index
      %swap3A_165 = vector.load %arg10[%swap3A_163, %swap3A_164] : memref<4000x1xf32, #tpu.memory_space<vmem>>, vector<4000x1xf32>
      tpu.vector_store %arg10[%swap3A_163, %swap3A_164], %add3A_162 {strides = array<i32>} : memref<4000x1xf32, #tpu.memory_space<vmem>>, vector<4000x1xf32>,
      %get3A_166 = arith.constant 0 : index
      %get3A_167 = arith.constant 0 : index
      %get3A_168 = vector.load %arg11[%get3A_166, %get3A_167] : memref<4000x1xf32, #tpu.memory_space<vmem>>, vector<4000x1xf32>
      %get3A_169 = arith.constant 0 : index
      %get3A_170 = arith.constant 768 : index
      %get3A_171 = vector.load %arg6[%get3A_169, %get3A_170] : memref<8x1024xf32, #tpu.memory_space<vmem>>, vector<1x128xf32>
      %mul3A_172 = vector.broadcast %get3A_171 : vector<1x128xf32> to vector<4000x128xf32>
      %mul3A_173 = arith.mulf %convert_element_type3A_143, %mul3A_172 : vector<4000x128xf32>
      %reduce_sum3A_174 = arith.constant dense<0.000000e+00> : vector<4000xf32>
      %reduce_sum3A_175 = vector.multi_reduction <add>, %mul3A_173, %reduce_sum3A_174 [1] : vector<4000x128xf32> to vector<4000xf32>
      %broadcast_in_dim3A_176 = vector.shape_cast %reduce_sum3A_175 : vector<4000xf32> to vector<4000x1xf32>
      %add3A_177 = arith.addf %get3A_168, %broadcast_in_dim3A_176 : vector<4000x1xf32>
      %swap3A_178 = arith.constant 0 : index
      %swap3A_179 = arith.constant 0 : index
      %swap3A_180 = vector.load %arg11[%swap3A_178, %swap3A_179] : memref<4000x1xf32, #tpu.memory_space<vmem>>, vector<4000x1xf32>
      tpu.vector_store %arg11[%swap3A_178, %swap3A_179], %add3A_177 {strides = array<i32>} : memref<4000x1xf32, #tpu.memory_space<vmem>>, vector<4000x1xf32>,
    } else {
    }
    %get3A_77 = arith.index_cast %arg0 : i32 to index
    %get3A_78 = arith.constant 7 : index
    %get3A_79 = memref.load %arg1[%get3A_77, %get3A_78] : memref<25x8xi32, #tpu.memory_space<smem>>
    %gt3A_80 = arith.constant 0 : i32
    %gt3A_81 = arith.cmpi sgt, %get3A_79, %gt3A_80 : i32
    %convert_element_type3A_82 = arith.extui %gt3A_81 : i1 to i32
    %cond3A_83 = arith.constant 0 : i32
    %cond3A_84 = arith.cmpi ne, %convert_element_type3A_82, %cond3A_83 : i32
    scf.if %cond3A_84 {
      %get3A_127 = arith.constant 0 : index
      %get3A_128 = arith.constant 896 : index
      %get3A_129 = vector.load %arg4[%get3A_127, %get3A_128] : memref<128x1024xf32, #tpu.memory_space<vmem>>, vector<128x128xf32>
      %dot_general3A = arith.constant dense<0.000000e+00> : vector<4000x128xf32>
      %dot_general3A_130 = tpu.matmul %get3A_21, %get3A_129, %dot_general3A {dimension_numbers = #tpu.dot_dimension_numbers<[1], [0], [0], [1], [0, 0, 1, 1], [], []>, transpose_lhs_hint = false} : vector<4000x128xf32>, vector<128x128xf32>, vector<4000x128xf32> -> vector<4000x128xf32>
      %get3A_131 = arith.constant 0 : index
      %get3A_132 = arith.constant 896 : index
      %get3A_133 = vector.load %arg5[%get3A_131, %get3A_132] : memref<128x1024xf32, #tpu.memory_space<vmem>>, vector<128x128xf32>
      %dot_general3A_134 = arith.constant dense<0.000000e+00> : vector<4000x128xf32>
      %dot_general3A_135 = tpu.matmul %get3A_21, %get3A_133, %dot_general3A_134 {dimension_numbers = #tpu.dot_dimension_numbers<[1], [0], [0], [1], [0, 0, 1, 1], [], []>, transpose_lhs_hint = false} : vector<4000x128xf32>, vector<128x128xf32>, vector<4000x128xf32> -> vector<4000x128xf32>
      %add3A_136 = arith.constant 896 : i32
      %add3A_137 = vector.broadcast %add3A_136 : i32 to vector<4000x128xi32>
      %add3A_138 = arith.addi %iota3A, %add3A_137 : vector<4000x128xi32>
      %broadcast_in_dim3A_139 = vector.shape_cast %get3A_18 : vector<4000xi32> to vector<4000x1xi32>
      %eq3A_140 = vector.broadcast %broadcast_in_dim3A_139 : vector<4000x1xi32> to vector<4000x128xi32>
      %eq3A_141 = arith.cmpi eq, %add3A_138, %eq3A_140 : vector<4000x128xi32>
      %convert_element_type3A_142 = arith.extui %eq3A_141 : vector<4000x128xi1> to vector<4000x128xi32>
      %convert_element_type3A_143 = arith.sitofp %convert_element_type3A_142 : vector<4000x128xi32> to vector<4000x128xf32>
      %get3A_144 = arith.constant 0 : index
      %get3A_145 = arith.constant 0 : index
      %get3A_146 = vector.load %arg9[%get3A_144, %get3A_145] : memref<4000x1xf32, #tpu.memory_space<vmem>>, vector<4000x1xf32>
      %mul3A_147 = arith.mulf %dot_general3A_130, %convert_element_type3A_143 : vector<4000x128xf32>
      %reduce_sum3A_148 = arith.constant dense<0.000000e+00> : vector<4000xf32>
      %reduce_sum3A_149 = vector.multi_reduction <add>, %mul3A_147, %reduce_sum3A_148 [1] : vector<4000x128xf32> to vector<4000xf32>
      %broadcast_in_dim3A_150 = vector.shape_cast %reduce_sum3A_149 : vector<4000xf32> to vector<4000x1xf32>
      %add3A_151 = arith.addf %get3A_146, %broadcast_in_dim3A_150 : vector<4000x1xf32>
      %swap3A_152 = arith.constant 0 : index
      %swap3A_153 = arith.constant 0 : index
      %swap3A_154 = vector.load %arg9[%swap3A_152, %swap3A_153] : memref<4000x1xf32, #tpu.memory_space<vmem>>, vector<4000x1xf32>
      tpu.vector_store %arg9[%swap3A_152, %swap3A_153], %add3A_151 {strides = array<i32>} : memref<4000x1xf32, #tpu.memory_space<vmem>>, vector<4000x1xf32>,
      %get3A_155 = arith.constant 0 : index
      %get3A_156 = arith.constant 0 : index
      %get3A_157 = vector.load %arg10[%get3A_155, %get3A_156] : memref<4000x1xf32, #tpu.memory_space<vmem>>, vector<4000x1xf32>
      %mul3A_158 = arith.mulf %dot_general3A_135, %convert_element_type3A_143 : vector<4000x128xf32>
      %reduce_sum3A_159 = arith.constant dense<0.000000e+00> : vector<4000xf32>
      %reduce_sum3A_160 = vector.multi_reduction <add>, %mul3A_158, %reduce_sum3A_159 [1] : vector<4000x128xf32> to vector<4000xf32>
      %broadcast_in_dim3A_161 = vector.shape_cast %reduce_sum3A_160 : vector<4000xf32> to vector<4000x1xf32>
      %add3A_162 = arith.addf %get3A_157, %broadcast_in_dim3A_161 : vector<4000x1xf32>
      %swap3A_163 = arith.constant 0 : index
      %swap3A_164 = arith.constant 0 : index
      %swap3A_165 = vector.load %arg10[%swap3A_163, %swap3A_164] : memref<4000x1xf32, #tpu.memory_space<vmem>>, vector<4000x1xf32>
      tpu.vector_store %arg10[%swap3A_163, %swap3A_164], %add3A_162 {strides = array<i32>} : memref<4000x1xf32, #tpu.memory_space<vmem>>, vector<4000x1xf32>,
      %get3A_166 = arith.constant 0 : index
      %get3A_167 = arith.constant 0 : index
      %get3A_168 = vector.load %arg11[%get3A_166, %get3A_167] : memref<4000x1xf32, #tpu.memory_space<vmem>>, vector<4000x1xf32>
      %get3A_169 = arith.constant 0 : index
      %get3A_170 = arith.constant 896 : index
      %get3A_171 = vector.load %arg6[%get3A_169, %get3A_170] : memref<8x1024xf32, #tpu.memory_space<vmem>>, vector<1x128xf32>
      %mul3A_172 = vector.broadcast %get3A_171 : vector<1x128xf32> to vector<4000x128xf32>
      %mul3A_173 = arith.mulf %convert_element_type3A_143, %mul3A_172 : vector<4000x128xf32>
      %reduce_sum3A_174 = arith.constant dense<0.000000e+00> : vector<4000xf32>
      %reduce_sum3A_175 = vector.multi_reduction <add>, %mul3A_173, %reduce_sum3A_174 [1] : vector<4000x128xf32> to vector<4000xf32>
      %broadcast_in_dim3A_176 = vector.shape_cast %reduce_sum3A_175 : vector<4000xf32> to vector<4000x1xf32>
      %add3A_177 = arith.addf %get3A_168, %broadcast_in_dim3A_176 : vector<4000x1xf32>
      %swap3A_178 = arith.constant 0 : index
      %swap3A_179 = arith.constant 0 : index
      %swap3A_180 = vector.load %arg11[%swap3A_178, %swap3A_179] : memref<4000x1xf32, #tpu.memory_space<vmem>>, vector<4000x1xf32>
      tpu.vector_store %arg11[%swap3A_178, %swap3A_179], %add3A_177 {strides = array<i32>} : memref<4000x1xf32, #tpu.memory_space<vmem>>, vector<4000x1xf32>,
    } else {
    }
    %get3A_85 = arith.constant 0 : index
    %get3A_86 = memref.load %arg7[%get3A_85] : memref<1xf32, #tpu.memory_space<smem>>
    %get3A_87 = arith.constant 0 : index
    %get3A_88 = arith.constant 0 : index
    %get3A_89 = vector.load %arg9[%get3A_87, %get3A_88] : memref<4000x1xf32, #tpu.memory_space<vmem>>, vector<4000x1xf32>
    %add3A = vector.broadcast %get3A_86 : f32 to vector<4000x1xf32>
    %add3A_90 = arith.addf %get3A_89, %add3A : vector<4000x1xf32>
    %get3A_91 = arith.constant 0 : index
    %get3A_92 = arith.constant 0 : index
    %get3A_93 = vector.load %arg10[%get3A_91, %get3A_92] : memref<4000x1xf32, #tpu.memory_space<vmem>>, vector<4000x1xf32>
    %add3A_94 = vector.broadcast %get3A_86 : f32 to vector<4000x1xf32>
    %add3A_95 = arith.addf %get3A_93, %add3A_94 : vector<4000x1xf32>
    %get3A_96 = arith.constant 0 : index
    %get3A_97 = arith.constant 0 : index
    %get3A_98 = vector.load %arg11[%get3A_96, %get3A_97] : memref<4000x1xf32, #tpu.memory_space<vmem>>, vector<4000x1xf32>
    %get3A_99 = arith.constant 0 : index
    %get3A_100 = arith.constant 0 : index
    %get3A_101 = vector.load %arg8[%get3A_99, %get3A_100] : memref<1x1xf32, #tpu.memory_space<vmem>>, vector<1x1xf32>
    %max3A = arith.constant 0.000000e+00 : f32
    %max3A_102 = vector.broadcast %max3A : f32 to vector<4000x1xf32>
    %max3A_103 = arith.maximumf %add3A_90, %max3A_102 : vector<4000x1xf32>
    %abs3A = math.absf %add3A_90 : vector<4000x1xf32>
    %neg3A = arith.constant 0.000000e+00 : f32
    %neg3A_104 = vector.broadcast %neg3A : f32 to vector<4000x1xf32>
    %neg3A_105 = arith.subf %neg3A_104, %abs3A : vector<4000x1xf32>
    %exp3A = math.exp %neg3A_105 : vector<4000x1xf32>
    %log1p3A = math.log1p %exp3A : vector<4000x1xf32>
    %add3A_106 = arith.addf %max3A_103, %log1p3A : vector<4000x1xf32>
    %sub3A = arith.subf %add3A_106, %add3A_90 : vector<4000x1xf32>
    %max3A_107 = arith.constant 0.000000e+00 : f32
    %max3A_108 = vector.broadcast %max3A_107 : f32 to vector<4000x1xf32>
    %max3A_109 = arith.maximumf %add3A_95, %max3A_108 : vector<4000x1xf32>
    %abs3A_110 = math.absf %add3A_95 : vector<4000x1xf32>
    %neg3A_111 = arith.constant 0.000000e+00 : f32
    %neg3A_112 = vector.broadcast %neg3A_111 : f32 to vector<4000x1xf32>
    %neg3A_113 = arith.subf %neg3A_112, %abs3A_110 : vector<4000x1xf32>
    %exp3A_114 = math.exp %neg3A_113 : vector<4000x1xf32>
    %log1p3A_115 = math.log1p %exp3A_114 : vector<4000x1xf32>
    %add3A_116 = arith.addf %max3A_109, %log1p3A_115 : vector<4000x1xf32>
    %add3A_117 = arith.addf %sub3A, %add3A_116 : vector<4000x1xf32>
    %mul3A = arith.mulf %get3A_98, %add3A_117 : vector<4000x1xf32>
    %reduce_sum3A = vector.shape_cast %mul3A : vector<4000x1xf32> to vector<1x4000x1xf32>
    %reduce_sum3A_118 = arith.constant dense<0.000000e+00> : vector<1xf32>
    %reduce_sum3A_119 = vector.multi_reduction <add>, %reduce_sum3A, %reduce_sum3A_118 [1, 2] : vector<1x4000x1xf32> to vector<1xf32>
    %reduce_sum3A_120 = vector.shape_cast %reduce_sum3A_119 : vector<1xf32> to vector<1x1x1xf32>
    %reduce_sum3A_121 = vector.extract %reduce_sum3A_120[0, 0, 0] : f32 from vector<1x1x1xf32>
    %add3A_122 = vector.broadcast %reduce_sum3A_121 : f32 to vector<1x1xf32>
    %add3A_123 = arith.addf %get3A_101, %add3A_122 : vector<1x1xf32>
    %swap3A_124 = arith.constant 0 : index
    %swap3A_125 = arith.constant 0 : index
    %swap3A_126 = vector.load %arg8[%swap3A_124, %swap3A_125] : memref<1x1xf32, #tpu.memory_space<vmem>>, vector<1x1xf32>
    tpu.vector_store %arg8[%swap3A_124, %swap3A_125], %add3A_123 {strides = array<i32>} : memref<1x1xf32, #tpu.memory_space<vmem>>, vector<1x1xf32>,
    return
  }
  func.func @transform_0(%arg0: i32) -> (i32, i32) {
    %c0_i32 = arith.constant 0 : i32
    %c0_i32_0 = arith.constant 0 : i32
    %c0_i32_1 = arith.constant 0 : i32
    return %c0_i32, %c0_i32_0 : i32, i32
  }
  func.func @transform_1(%arg0: i32) -> (i32, i32, i32) {
    %c0_i32 = arith.constant 0 : i32
    %c0_i32_0 = arith.constant 0 : i32
    %c0_i32_1 = arith.constant 0 : i32
    return %arg0, %c0_i32, %c0_i32_0 : i32, i32, i32
  }
  func.func @transform_2(%arg0: i32) -> (i32, i32) {
    %c0_i32 = arith.constant 0 : i32
    %c0_i32_0 = arith.constant 0 : i32
    return %arg0, %c0_i32 : i32, i32
  }
  func.func @transform_3(%arg0: i32) -> (i32, i32) {
    %c0_i32 = arith.constant 0 : i32
    %c0_i32_0 = arith.constant 0 : i32
    %c0_i32_1 = arith.constant 0 : i32
    return %c0_i32, %c0_i32_0 : i32, i32
  }
  func.func @transform_4(%arg0: i32) -> (i32, i32) {
    %c0_i32 = arith.constant 0 : i32
    %c0_i32_0 = arith.constant 0 : i32
    %c0_i32_1 = arith.constant 0 : i32
    return %c0_i32, %c0_i32_0 : i32, i32
  }
  func.func @transform_5(%arg0: i32) -> (i32, i32) {
    %c0_i32 = arith.constant 0 : i32
    %c0_i32_0 = arith.constant 0 : i32
    %c0_i32_1 = arith.constant 0 : i32
    return %c0_i32, %c0_i32_0 : i32, i32
  }
  func.func @transform_6(%arg0: i32) -> i32 {
    %c0_i32 = arith.constant 0 : i32
    %c0_i32_0 = arith.constant 0 : i32
    return %c0_i32 : i32
  }
  func.func @transform_7(%arg0: i32) -> (i32, i32) {
    %c0_i32 = arith.constant 0 : i32
    %c0_i32_0 = arith.constant 0 : i32
    %c0_i32_1 = arith.constant 0 : i32
    return %c0_i32, %c0_i32_0 : i32, i32
  }
}

</mosaic_0001>

<sc_bundles>
// kernel: kernel.5.cloned.1.call-start
scs
__scs_entry_jumppad:
0x0: {  	(pc) =	sbr.rel $0x88, $3  }
0x1: {  	(tag) =	ssettag $0x0;
	lr =	simm.s32 $0x1  }
0x2: {  	[smem:$0x3F9C] =	sst lr;
	_ =	strace $0xD0000000  }
0x3: {  	_ = 	snop  }
0x4: {  	_ = 	snop  }
0x5: {  	_ = 	snop  }
0x6: {  	_ = 	snop  }
0x7: {  	_ = 	snop  }
__scs_overlays_trampoline_lowered:
0x8: {  	[smem:$0x3FAB] =	sst s0  }
0x9: {  	[smem:$0x3FAC] =	sst s1  }
0xa: {  	[smem:$0x3FAD] =	sst s2  }
0xb: {  	[smem:$0x3FAE] =	sst s3  }
0xc: {  	[smem:$0x3FAF] =	sst s4  }
0xd: {  	[smem:$0x3FB0] =	sst s5  }
0xe: {  	[smem:$0x3FB1] =	sst s6  }
0xf: {  	[smem:$0x3FB2] =	sst s7  }
0x10: {  	[smem:$0x3FB3] =	sst s8  }
0x11: {  	[smem:$0x3FB4] =	sst s9;
	s0 =	simm.s32 @!p0 $0x0  }
0x12: {  	s1 =	sld [smem:$0x3F9A];
	s0 =	simm.s32 @p0 $0x1  }
0x13: {  	[smem:$0x3FB5] =	sst s0;
	s0 =	simm.s32 @!p1 $0x0  }
0x14: {  	s2 =	sld [smem:$0x3F99];
	s0 =	simm.s32 @p1 $0x1  }
0x15: {  	[smem:$0x3FB6] =	sst s0;
	s0 =	simm.s32 @!p2 $0x0  }
0x16: {  	s3 =	sld [smem:$0x3FDB];
	s0 =	simm.s32 @p2 $0x1  }
0x17: {  	s4 =	simm.s32 $0x1BF5;
	[smem:$0x3FB8] =	sst s0  }
0x18: {  	s0 =	sld [smem:$0x3F9B];
	_ =	swait.ge [sflag:s4], $0x0  }
0x19: {  	s7 =	sld [smem:$0x3F9C]  }
0x1a: {  	s8 =	sadd.s32 $0xFFFFE003, lr  }
0x1b: {  	s9 =	sadd.s32 $0xFFFFFEF7, lr;
	s5 =	simm.s32 $0xFFFFFFFF;
	p2 =	slt.u32 s8, $0xFFFFF086  }
0x1c: {  	p1 =	slt.u32 s9, $0xF7A;
	s5 =	simm.s32 @!p2 $0x0  }
0x1d: {  	s5 =	simm.s32 @p1 $0x1;
	p0 =	seq.s32 s7, s2  }
0x1e: {  	s7 =	smul.u32 @!p0 $0xF7A, s2;
	p2 =	seq.s32 @!p0 s5, $0x0  }
0x1f: {  	s9 =	smul.u32 $0xF7A, s1;
	s8 =	simm.s32 @!p0 $0x1BF5;
	p2 =	por !p2, p0  }
0x20: {  	[sflag:s8] =	ssyncset.s32 @!p0 $0xFFFFF086;
	s6 =	sadd.s32 @!p0 s3, s7;
	s7 =	simm.s32 @!p0 $0x108  }
0x21: {  	s3 =	sadd.s32 s3, s9;
	s6 =	sadd.s32 @!p0 $0x88, s6;
	s7 =	simm.s32 @p2 $0x1082  }
0x22: {  	[simem:s7], [sflag:s8] =	dma.local @!p0 [hbm:s6], $0xF7A  }
0x23: {  	s9 =	sor.u32 $0xD0000000, s2;
	s6 =	simm.s32 $0x108;
	_ =	swait.ge @!p0 [sflag:s8], $0x0  }
0x24: {  	s3 =	sadd.s32 $0x88, s3;
	s6 =	simm.s32 @!p1 $0x1082;
	[sflag:s4] =	ssyncset.s32 $0xFFFFF086  }
0x25: {  	[simem:s6], [sflag:s4] =	dma.local [hbm:s3], $0xF7A  }
0x26: {  	[smem:$0x3F9C] =	sst s1;
	(tag) =	ssettag s2;
	_ =	strace s9  }
0x27: {  	s1 =	sld [smem:$0x3FAC]  }
0x28: {  	s2 =	sld [smem:$0x3FAD]  }
0x29: {  	s4 =	sld [smem:$0x3FAF]  }
0x2a: {  	p0 =	seq.s32 s5, $0x0;
	s5 =	sld [smem:$0x3FB0]  }
0x2b: {  	s6 =	sld [smem:$0x3FB1]  }
0x2c: {  	s7 =	sld [smem:$0x3FB2]  }
0x2d: {  	s3 =	simm.s32 $0x108;
	s8 =	sld [smem:$0x3FB3]  }
0x2e: {  	s3 =	simm.s32 @!p0 $0x1082;
	s9 =	sld [smem:$0x3FB4]  }
0x2f: {  	lr =	sadd.s32 s0, s3;
	s0 =	sld [smem:$0x3FAB]  }
0x30: {  	s3 =	sld [smem:$0x3FAE]  }
0x31: {  	[smem:$0x3FB7] =	sst s10  }
0x32: {  	s10 =	sld [smem:$0x3FB5];
	_ =	sdelay $0x3  }
0x33: {  	p0 =	seq.s32 s10, $0x1;
	s10 =	sld [smem:$0x3FB7];
	_ =	sdelay $0x3  }
0x34: {  	[smem:$0x3FB7] =	sst s10  }
0x35: {  	s10 =	sld [smem:$0x3FB6];
	_ =	sdelay $0x3  }
0x36: {  	p1 =	seq.s32 s10, $0x1;
	s10 =	sld [smem:$0x3FB7];
	_ =	sdelay $0x3  }
0x37: {  	[smem:$0x3FB7] =	sst s10  }
0x38: {  	s10 =	sld [smem:$0x3FB8]  }
0x39: {  	_ = 	snop;
	(pc) =	sbr.ind lr, $3  }
0x3a: {  	_ = 	snop  }
0x3b: {  	_ = 	snop  }
0x3c: {  	p2 =	seq.s32 s10, $0x1;
	s10 =	sld [smem:$0x3FB7]  }
0x3d: {  	_ =	shalt  }
0x3e: {  	_ =	shalt  }
0x3f: {  	_ =	shalt  }
0x40: {  	_ =	shalt  }
0x41: {  	_ =	shalt  }
0x42: {  	_ =	shalt  }
0x43: {  	_ =	shalt  }
0x44: {  	_ =	shalt  }
0x45: {  	_ =	shalt  }
0x46: {  	_ =	shalt  }
0x47: {  	_ =	shalt  }
0x48: {  	_ =	shalt  }
0x49: {  	_ =	shalt  }
0x4a: {  	_ =	shalt  }
0x4b: {  	_ =	shalt  }
0x4c: {  	_ =	shalt  }
0x4d: {  	_ =	shalt  }
0x4e: {  	_ =	shalt  }
0x4f: {  	_ =	shalt  }
0x50: {  	_ =	shalt  }
0x51: {  	_ =	shalt  }
0x52: {  	_ =	shalt  }
0x53: {  	_ =	shalt  }
0x54: {  	_ =	shalt  }
0x55: {  	_ =	shalt  }
0x56: {  	_ =	shalt  }
0x57: {  	_ =	shalt  }
0x58: {  	_ =	shalt  }
0x59: {  	_ =	shalt  }
0x5a: {  	_ =	shalt  }
0x5b: {  	_ =	shalt  }
0x5c: {  	_ =	shalt  }
0x5d: {  	_ =	shalt  }
0x5e: {  	_ =	shalt  }
0x5f: {  	_ =	shalt  }
0x60: {  	_ =	shalt  }
0x61: {  	_ =	shalt  }
0x62: {  	_ =	shalt  }
0x63: {  	_ =	shalt  }
0x64: {  	_ =	shalt  }
0x65: {  	_ =	shalt  }
0x66: {  	_ =	shalt  }
0x67: {  	_ =	shalt  }
0x68: {  	_ =	shalt  }
0x69: {  	_ =	shalt  }
0x6a: {  	_ =	shalt  }
0x6b: {  	_ =	shalt  }
0x6c: {  	_ =	shalt  }
0x6d: {  	_ =	shalt  }
0x6e: {  	_ =	shalt  }
0x6f: {  	_ =	shalt  }
0x70: {  	_ =	shalt  }
0x71: {  	_ =	shalt  }
0x72: {  	_ =	shalt  }
0x73: {  	_ =	shalt  }
0x74: {  	_ =	shalt  }
0x75: {  	_ =	shalt  }
0x76: {  	_ =	shalt  }
0x77: {  	_ =	shalt  }
0x78: {  	_ =	shalt  }
0x79: {  	_ =	shalt  }
0x7a: {  	_ =	shalt  }
0x7b: {  	_ =	shalt  }
0x7c: {  	_ =	shalt  }
0x7d: {  	_ =	shalt  }
0x7e: {  	_ =	shalt  }
0x7f: {  	_ =	shalt  }
0x80: {  	_ =	shalt  }
0x81: {  	_ =	shalt  }
0x82: {  	_ =	shalt  }
0x83: {  	_ =	shalt  }
0x84: {  	_ =	shalt  }
0x85: {  	_ =	shalt  }
0x86: {  	_ =	shalt  }
0x87: {  	_ =	shalt  }
.Lfunc_end0:
.L_simem_size_0:
called_computation_lowered:
.L_overlay_start_0:
0x88: {  	s2 =	sld [smem:$0x3FD9]  }
0x89: {  	s3 =	sld [smem:$0x3FFE];
	_ =	sdelay $0x1  }
0x8a: {  	s1 =	srdreg.scid  }
0x8b: {  	s0 =	sand.u32 $0x1, s1  }
0x8c: {  	s17 =	sshll.u32 s0, $0xA;
	s2 =	sadd.s32 s3, s2  }
0x8d: {  	s2 =	sadd.s32 s2, s17  }
0x8e: {  	[smem:$0x3FC3] =	sst s2  }
0x8f: {  	_ = 	snop  }
0x90: {  	s2 =	sld [smem:$0x3FC9]  }
0x91: {  	s18 =	sld [smem:$0x3FC6];
	(tm) =	ssettm $0x1  }
0x92: {  	s4 =	sld [smem:$0x3FFB];
	_ =	sdelay $0x3  }
0x93: {  	_ =	strace s4  }
0x94: {  	s4 =	sld [smem:$0x3FFC];
	_ =	sdelay $0x3  }
0x95: {  	_ =	strace s4  }
0x96: {  	s4 =	sld [smem:$0x3FFD];
	_ =	sdelay $0x3  }
0x97: {  	_ =	strace s4  }
0x98: {  	_ =	strace $0x8FFFFFFF  }
0x99: {  	s19 =	sld [smem:$0x3FDB];
	_ =	sdelay $0x1  }
0x9a: {  	s5 =	simm.s32 $_scs_section_size  }
0x9b: {  	s6 =	simm.s32 $_size__tile_overlayer_lowered;
	s7 =	simm.s32 $_tile_overlayer_lowered  }
0x9c: {  	s22 =	simm.s32 $0x1BFF;
	s21 =	sshll.u32 s7, $0x1;
	s4 =	sadd.s32 s5, s19  }
0x9d: {  	s8 =	simm.s32 $0x0;
	s20 =	sshll.u32 s6, $0x1;
	s6 =	sadd.s32 s21, s4  }
0x9e: {  	[timem:s8], [sflag:s22] =	dma.local [hbm:s6], s20  }
0x9f: {  	_ =	swait.ge [sflag:s22], s20  }
0xa0: {  	s5 =	ssub.s32 $0x0, s20;
	[sflag:s22] =	ssyncset.done $0x0  }
0xa1: {  	[sflag:s22] =	ssyncadd.s32 s5;
	_ =	sdelay $0x1  }
0xa2: {  	s23 =	simm.s32 $0x1B8B  }
0xa3: {  	_ =	swait.ge [sflag:s23], $0x1  }
0xa4: {  	[sflag:s23] =	ssyncset.done $0x0  }
0xa5: {  	s25 =	simm.s32 $0x1B8E;
	s24 =	sld [smem:$0x3FFE];
	[sflag:s23] =	ssyncadd.s32 $0xFFFFFFFF  }
0xa6: {  	s26 =	simm.s32 $execute0_lowered;
	[smem:$0x3FD2] =	sst s25  }
0xa7: {  	s6 =	sshll.u32 s26, $0x1;
	_ =	strace $0x80000046;
	[dreg:$0x1] =	wrdreg $0xFFFFFFFF  }
0xa8: {  	s28 =	simm.s32 $_size_execute0_lowered;
	s4 =	sadd.s32 s4, s6;
	[dreg:$0x0] =	wrdreg $0x0  }
0xa9: {  	s6 =	sshll.u32 s28, $0x1;
	[dreg:$0x2] =	wrdreg s4  }
0xaa: {  	[dreg:$0x3] =	wrdreg s6  }
0xab: {  	[dreg:$0x4] =	wrdreg $0xC0  }
0xac: {  	_ =	task [dreg:s8], $0x5FFFF  }
0xad: {  	[dreg:$0x1] =	wrdreg $0xFFFFFFFF  }
0xae: {  	[dreg:$0x0] =	wrdreg $0x60  }
0xaf: {  	[dreg:$0x2] =	wrdreg s2  }
0xb0: {  	[dreg:$0x3] =	wrdreg s18  }
0xb1: {  	[dreg:$0x4] =	wrdreg s24  }
0xb2: {  	[dreg:$0x5] =	wrdreg $0xD1000  }
0xb3: {  	[dreg:$0x6] =	wrdreg $0xF1000  }
0xb4: {  	[dreg:$0x7] =	wrdreg $0x9  }
0xb5: {  	_ =	task.clear_ibuf [dreg:s8], $0x8FFFF;
	_ =	strace $0x90000046  }
0xb6: {  	s29 =	simm.s32 $0x9;
	_ =	strace $0x80000048  }
0xb7: {  	_ =	swait.ge [sflag:s29], $0x1  }
0xb8: {  	[sflag:s29] =	ssyncadd.s32 $0xFFFFFFFF  }
0xb9: {  	_ =	strace $0x90000048  }
0xba: {  	_ =	sfence  }
0xbb: {  	s30 =	sld [smem:$0x0];
	_ =	sdelay $0x2  }
0xbc: {  	s31 =	sshll.u32 s1, $0xD;
	s1 =	sshrl.u32 s1, $0x2  }
0xbd: {  	s3 =	sand.u32 $0x4000, s31;
	s1 =	sadd.s32 s1, s30  }
0xbe: {  	s0 =	sor.u32 s3, s0;
	s1 =	sshll.u32 s1, $0x11  }
0xbf: {  	s0 =	sor.u32 s1, s0  }
0xc0: {  	s0 =	sadd.s32 $0x8F2B, s0  }
0xc1: {  	[sflag:s0] =	ssyncadd.remote.s32 $0x1  }
0xc2: {  	_ =	sfence.sel $0xFFFF  }
0xc3: {  	[dreg:$0x0] =	wrdreg $0xFFFFFFFF;
	(pc) =	sbr.abs _section_cstart, $3  }
0xc4: {  	[dreg:$0x1] =	wrdreg $0xFFFFFFFF  }
0xc5: {  	_ =	task.clear_ibuf [dreg:s8], $0x2FFFF;
	_ =	strace $0x9FFFFFFF  }
0xc6: {  	(tm) =	ssettm $0x7FFFFFFF  }
0xc7: {  	_ =	shalt  }
tec
execute0_lowered:
.L_overlay_start_1:
0x0: {  	(tag) =	ssettag $0x1  }
0x1: {  	s14 =	rddreg [dreg:$0x0]  }
0x2: {  	s15 =	rddreg [dreg:$0x1]  }
0x3: {  	s5 =	rddreg [dreg:$0x2]  }
0x4: {  	s1 =	rddreg [dreg:$0x3]  }
0x5: {  	s3 =	rddreg [dreg:$0x4]  }
0x6: {  	s0 =	rddreg [dreg:$0x5]  }
0x7: {  	s6 =	srdreg.scid;
	s4 =	simm.s32 $0x0;
	s2 =	stileid.u32  }
0x8: {  	s20 =	simm.s32 $0x80;
	s22 =	simm.s32 $0x0;
	s16 =	sand.u32 $0x1, s6  }
0x9: {  	[smem:$0x7FF] =	sst s4;
	s29 =	sshll.u32 s2, $0xD;
	s9 =	sshll.u32 s2, $0x1  }
0xa: {  	s17 =	sshll.u32 s2, $0x8;
	s19 =	sshll.u32 s2, $0xC;
	s7 =	sshll.u32 s16, $0x11  }
0xb: {  	_ =	strace $0x80000047;
	s8 =	ssub.s32 $0x2, s16;
	s21 =	sor.u32 s16, s9  }
0xc: {  	s6 =	sadd.s32 s29, s3;
	s18 =	sshll.u32 s16, $0x7;
	s16 =	sshll.u32 s16, $0xB  }
0xd: {  	s7 =	sor.u32 s29, s7;
	s30 =	sshrl.u32 s8, $0x1;
	s31 =	sshll.u32 s21, $0x7  }
0xe: {  	s17 =	sor.u32 s18, s17;
	s18 =	simm.s32 $0xA080;
	p0 =	sgt.u32 s21, $0xC  }
0xf: {  	s7 =	sshrl.u32 s7, $0x3;
	s11 =	ssub.s32 s8, s30;
	s13 =	sor.u32 $0x18000, s31  }
0x10: {  	s8 =	sadd.s32 $0x186800, s14;
	s17 =	sshrl.u32 s17, $0x3;
	p1 =	sne.s32 @!p0 s21, $0x0  }
0x11: {  	s21 =	simm.s32 $0x4080;
	s10 =	sadd.s32 s7, s5;
	s5 =	sadd.s32 s29, s1  }
0x12: {  	s7 =	sadd.s32 $0x30D0, s15;
	s12 =	sshrl.u32 s13, $0x3;
	s11 =	smax.u32 s11, $0x1  }
0x13: {  	s13 =	sshll.u32 s13, $0x4;
	p1 =	por p1, p0;
	s9 =	sadd.s32 $0x800, s10  }
0x14: {  	s10 =	sadd.s32 $0x8800, s10;
	s12 =	sadd.s32 s15, s12;
	s13 =	sadd.s32 s14, s13  }
0x15: {  	s14 =	sadd.s32 s19, s14;
	s15 =	sadd.s32 s17, s15;
	s17 =	simm.s32 $0x1  }
0x16: {  	v0 =	vimm.f32 $1.000000000e+00;
	v1 =	vimm.f32 $0.0e+00;
	s19 =	simm.s32 $0x2;
	s14 =	sadd.s32 s16, s14;
	s16 =	simm.s32 $0x8080  }
.LBB2_1:
0x17: {  	s23 =	sand.u32 $0xFE00, s4  }
0x18: {  	s25 =	sand.u32 $0x70, s4;
	s23 =	sshrl.u32 s23, $0x2  }
0x19: {  	s24 =	simm.s32 $0x40;
	s26 =	sor.u32 s25, s23;
	s25 =	simm.s32 $0x0  }
.LBB2_2:
0x1a: {  	p2 =	sne.s32 s24, $0xFFC0  }
0x1b: {  	[tilespmem:s26+$0x4080] =	vst v0;
	s25 =	sadd.s32 $0x10, s25;
	s23 =	smov.u32 s24;
	s24 =	sadd.s32 $0x40, s24  }
.Ltmp0:
0x1c: {  	(pc) =	sbr.rel @p2 .LBB2_2-.Ltmp0, $4  }
0x1d: {  	_ = 	snop  }
0x1e: {  	s23 =	sand.u32 $0xFE00, s23  }
0x1f: {  	s26 =	sand.u32 $0x70, s25;
	s23 =	sshrl.u32 s23, $0x2  }
0x20: {  	s26 =	sor.u32 s26, s23;
	s23 =	simm.s32 $0x0  }
0x21: {  	s25 =	sand.u32 $0x7E00, s23  }
0x22: {  	s24 =	sand.u32 $0x70, s23;
	s25 =	sshrl.u32 s25, $0x2  }
0x23: {  	[tilespmem:s26+$0x4080] =	vst v0;
	s26 =	simm.s32 $0x40;
	s28 =	simm.s32 $0x0;
	s29 =	sor.u32 s24, s25  }
.LBB2_4:
0x24: {  	p2 =	sne.s32 s26, $0x7FC0  }
0x25: {  	[tilespmem:s29+$0x8080] =	vst v1;
	s28 =	sadd.s32 $0x10, s28;
	s29 =	smov.u32 s26;
	s26 =	sadd.s32 $0x40, s26  }
.Ltmp1:
0x26: {  	(pc) =	sbr.rel @p2 .LBB2_4-.Ltmp1, $4  }
0x27: {  	_ = 	snop  }
0x28: {  	s29 =	sand.u32 $0x7E00, s29  }
0x29: {  	s30 =	sand.u32 $0x70, s28;
	s29 =	sshrl.u32 s29, $0x2  }
0x2a: {  	s29 =	sor.u32 s30, s29  }
0x2b: {  	[tilespmem:s29+$0x8080] =	vst v1;
	s26 =	simm.s32 $0x40;
	s24 =	sor.u32 s24, s25  }
.LBB2_6:
0x2c: {  	p2 =	sne.s32 s26, $0x7FC0  }
0x2d: {  	[tilespmem:s24+$0xA080] =	vst v1;
	s23 =	sadd.s32 $0x10, s23;
	s24 =	smov.u32 s26;
	s26 =	sadd.s32 $0x40, s26  }
.Ltmp2:
0x2e: {  	(pc) =	sbr.rel @p2 .LBB2_6-.Ltmp2, $4  }
0x2f: {  	_ = 	snop  }
0x30: {  	s24 =	sand.u32 $0x7E00, s24  }
0x31: {  	s25 =	sand.u32 $0x70, s23;
	s24 =	sshrl.u32 s24, $0x2  }
0x32: {  	s24 =	sor.u32 s25, s24  }
0x33: {  	[tilespmem:s24+$0xA080] =	vst v1  }
0x34: {  	[spmem:s5] =	stream.linear.scatter [tilespmem:s16], [sflag:$0x1], $0x2000, $0x38;
	[tilespmem:$0x11100] =	vst v63  }
0x35: {  	_ =	swait.ge [sflag:s17], $0x2000  }
0x36: {  	[sflag:s17] =	ssyncset.done $0x0  }
0x37: {  	[sflag:s17] =	ssyncadd.s32 $0xFFFFE000  }
0x38: {  	[spmem:s6] =	stream.linear.scatter [tilespmem:s18], [sflag:$0x1], $0x2000, $0x38;
	[tilespmem:$0x11100] =	vst v63  }
0x39: {  	_ =	swait.ge [sflag:s17], $0x2000  }
0x3a: {  	[sflag:s17] =	ssyncset.done $0x0  }
0x3b: {  	[sflag:s17] =	ssyncadd.s32 $0xFFFFE000  }
0x3c: {  	s23 =	sadd.s32 $0x0, s15;
	[bflag:$0x0] =	sbarrier.arrive $0xFFFF  }
0x3d: {  	[tilespmem:s4], [sflag:$0x2] =	stream.linear.gather [hbm4b:s23+s4], $0x80, $0x38;
	[tilespmem:$0x11100] =	vst v63  }
0x3e: {  	_ =	swait.ge [sflag:s19], $0x80  }
0x3f: {  	[sflag:s19] =	ssyncset.done $0x0  }
0x40: {  	[sflag:s19] =	ssyncadd.s32 $0xFFFFFF80  }
0x41: {  	[tilespmem:s20], [sflag:$0x2] =	stream.linear.gather [hbm4b:s14+s4], $0x4000, $0x38;
	[tilespmem:$0x11100] =	vst v63  }
0x42: {  	_ =	swait.ge [sflag:s19], $0x4000  }
0x43: {  	[sflag:s19] =	ssyncset.done $0x0  }
0x44: {  	[sflag:s19] =	ssyncadd.s32 $0xFFFFC000  }
0x45: {  	[spmem:s1] =	stream.indirect.scatter.add.f32 [tilespmem:s20], [sflag:$0x2], $0x80, s4, s20, $0xb8;
	[tilespmem:$0x11100] =	vst v63  }
0x46: {  	_ =	swait.ge [sflag:s19], $0x4000  }
0x47: {  	[sflag:s19] =	ssyncset.done $0x0  }
0x48: {  	[sflag:s19] =	ssyncadd.s32 $0xFFFFC000  }
0x49: {  	[spmem:s3] =	stream.indirect.scatter.add.f32 [tilespmem:s21], [sflag:$0x1], $0x80, s4, s20, $0xb8;
	[tilespmem:$0x11100] =	vst v63  }
0x4a: {  	s24 =	simm.s32 $0x200;
	_ =	swait.ge [sflag:s17], $0x4000  }
0x4b: {  	s25 =	simm.s32 $0x400;
	s23 =	sadd.s32 $0x10000, s14;
	[sflag:s17] =	ssyncset.done $0x0  }
.LBB2_8:
0x4c: {  	s26 =	sadd.s32 s24, s15  }
0x4d: {  	[sflag:s17] =	ssyncadd.s32 $0xFFFFC000;
	s24 =	smov.u32 s25;
	s28 =	sadd.s32 $0x200, s25  }
0x4e: {  	[tilespmem:s4], [sflag:$0x2] =	stream.linear.gather [hbm4b:s26+s4], $0x80, $0x38;
	[tilespmem:$0x11100] =	vst v63  }
0x4f: {  	p2 =	sne.s32 s25, $0x2E00;
	_ =	swait.ge [sflag:s19], $0x80  }
0x50: {  	[sflag:s19] =	ssyncset.done $0x0  }
0x51: {  	[sflag:s19] =	ssyncadd.s32 $0xFFFFFF80  }
0x52: {  	[tilespmem:s20], [sflag:$0x2] =	stream.linear.gather [hbm4b:s23+s4], $0x4000, $0x38;
	[tilespmem:$0x11100] =	vst v63  }
0x53: {  	_ =	swait.ge [sflag:s19], $0x4000  }
0x54: {  	[sflag:s19] =	ssyncset.done $0x0  }
0x55: {  	[sflag:s19] =	ssyncadd.s32 $0xFFFFC000  }
0x56: {  	[spmem:s1] =	stream.indirect.scatter.add.f32 [tilespmem:s20], [sflag:$0x2], $0x80, s4, s20, $0xb8;
	[tilespmem:$0x11100] =	vst v63  }
0x57: {  	_ =	swait.ge [sflag:s19], $0x4000  }
.Ltmp3:
0x58: {  	[sflag:s19] =	ssyncset.done $0x0;
	(pc) =	sbr.rel @p2 .LBB2_8-.Ltmp3, $4  }
0x59: {  	[sflag:s19] =	ssyncadd.s32 $0xFFFFC000  }
0x5a: {  	[spmem:s3] =	stream.indirect.scatter.add.f32 [tilespmem:s21], [sflag:$0x1], $0x80, s4, s20, $0xb8;
	[tilespmem:$0x11100] =	vst v63  }
0x5b: {  	_ =	swait.ge [sflag:s17], $0x4000  }
0x5c: {  	s25 =	smov.u32 s28;
	s23 =	sadd.s32 $0x10000, s23;
	[sflag:s17] =	ssyncset.done $0x0  }
0x5d: {  	s24 =	sadd.s32 s24, s15;
	[sflag:s17] =	ssyncadd.s32 $0xFFFFC000  }
0x5e: {  	[tilespmem:s4], [sflag:$0x2] =	stream.linear.gather [hbm4b:s24+s4], $0x80, $0x38;
	[tilespmem:$0x11100] =	vst v63  }
0x5f: {  	_ =	swait.ge [sflag:s19], $0x80  }
0x60: {  	[sflag:s19] =	ssyncset.done $0x0  }
0x61: {  	[sflag:s19] =	ssyncadd.s32 $0xFFFFFF80  }
0x62: {  	[tilespmem:s20], [sflag:$0x2] =	stream.linear.gather [hbm4b:s23+s4], $0x4000, $0x38;
	[tilespmem:$0x11100] =	vst v63  }
0x63: {  	_ =	swait.ge [sflag:s19], $0x4000  }
0x64: {  	[sflag:s19] =	ssyncset.done $0x0  }
0x65: {  	[sflag:s19] =	ssyncadd.s32 $0xFFFFC000  }
0x66: {  	[spmem:s1] =	stream.indirect.scatter.add.f32 [tilespmem:s20], [sflag:$0x2], $0x80, s4, s20, $0xb8;
	[tilespmem:$0x11100] =	vst v63  }
0x67: {  	_ =	swait.ge [sflag:s19], $0x4000  }
0x68: {  	[sflag:s19] =	ssyncset.done $0x0  }
0x69: {  	[sflag:s19] =	ssyncadd.s32 $0xFFFFC000  }
0x6a: {  	[spmem:s3] =	stream.indirect.scatter.add.f32 [tilespmem:s21], [sflag:$0x1], $0x80, s4, s20, $0xb8;
	[tilespmem:$0x11100] =	vst v63  }
0x6b: {  	_ =	swait.ge [sflag:s17], $0x4000  }
0x6c: {  	[sflag:s17] =	ssyncset.done $0x0  }
0x6d: {  	s24 =	simm.s32 @!p0 $0x2;
	s23 =	simm.s32 @!p0 $0x0;
	[sflag:s17] =	ssyncadd.s32 $0xFFFFC000  }
0x6e: {  	[tilespmem:s23], [sflag:$0x2] =	stream.linear.gather @!p0 [hbm4b:s12+s23], $0x80, $0x38;
	[tilespmem:$0x11100] =	vst v63  }
0x6f: {  	_ =	swait.ge @!p0 [sflag:s24], $0x80  }
0x70: {  	[sflag:s24] =	ssyncset.done @!p0 $0x0  }
0x71: {  	s25 =	simm.s32 @!p0 $0x80;
	[sflag:s24] =	ssyncadd.s32 @!p0 $0xFFFFFF80  }
0x72: {  	[tilespmem:s25], [sflag:$0x2] =	stream.linear.gather @!p0 [hbm4b:s13+s23], $0x4000, $0x38;
	[tilespmem:$0x11100] =	vst v63  }
0x73: {  	_ =	swait.ge @!p0 [sflag:s24], $0x4000  }
0x74: {  	[sflag:s24] =	ssyncset.done @!p0 $0x0  }
0x75: {  	[sflag:s24] =	ssyncadd.s32 @!p0 $0xFFFFC000  }
0x76: {  	[spmem:s1] =	stream.indirect.scatter.add.f32 @!p0 [tilespmem:s25], [sflag:$0x2], $0x80, s23, s25, $0xb8;
	[tilespmem:$0x11100] =	vst v63  }
0x77: {  	_ =	swait.ge @!p0 [sflag:s24], $0x4000  }
0x78: {  	[sflag:s24] =	ssyncset.done @!p0 $0x0  }
0x79: {  	[sflag:s24] =	ssyncadd.s32 @!p0 $0xFFFFC000;
	s24 =	simm.s32 @!p0 $0x4080  }
0x7a: {  	[spmem:s3] =	stream.indirect.scatter.add.f32 @!p0 [tilespmem:s24], [sflag:$0x1], $0x80, s23, s25, $0xb8;
	[tilespmem:$0x11100] =	vst v63  }
0x7b: {  	s23 =	simm.s32 @!p0 $0x1  }
0x7c: {  	_ =	swait.ge @!p0 [sflag:s23], $0x4000  }
0x7d: {  	s24 =	simm.s32 @!p1 $0xC080;
	[sflag:s23] =	ssyncset.done @!p0 $0x0  }
0x7e: {  	s25 =	simm.s32 @!p1 $0x1;
	[sflag:s23] =	ssyncadd.s32 @!p0 $0xFFFFC000;
	s23 =	simm.s32 @!p1 $0x0  }
0x7f: {  	[tilespmem:s24], [sflag:$0x1] =	stream.linear.gather @!p1 [hbm4b:s7+s23], $0x20, $0x38;
	[tilespmem:$0x11100] =	vst v63  }
0x80: {  	_ =	swait.ge @!p1 [sflag:s25], $0x20  }
0x81: {  	[sflag:s25] =	ssyncset.done @!p1 $0x0  }
0x82: {  	s26 =	simm.s32 @!p1 $0xC100;
	[sflag:s25] =	ssyncadd.s32 @!p1 $0xFFFFFFE0  }
0x83: {  	[tilespmem:s26], [sflag:$0x1] =	stream.linear.gather @!p1 [hbm4b:s8+s23], $0x1000, $0x38;
	[tilespmem:$0x11100] =	vst v63  }
0x84: {  	_ =	swait.ge @!p1 [sflag:s25], $0x1000  }
0x85: {  	[sflag:s25] =	ssyncset.done @!p1 $0x0  }
0x86: {  	s23 =	simm.s32 @!p1 $0x20;
	[sflag:s25] =	ssyncadd.s32 @!p1 $0xFFFFF000  }
0x87: {  	[spmem:s1] =	stream.indirect.scatter.add.f32 @!p1 [tilespmem:s26], [sflag:$0x1], $0x80, s24, s23, $0xb8;
	[tilespmem:$0x11100] =	vst v63  }
0x88: {  	_ =	swait.ge @!p1 [sflag:s25], $0x1000  }
0x89: {  	[sflag:s25] =	ssyncset.done @!p1 $0x0  }
0x8a: {  	s26 =	simm.s32 @!p1 $0x4080;
	[sflag:s25] =	ssyncadd.s32 @!p1 $0xFFFFF000  }
0x8b: {  	[spmem:s3] =	stream.indirect.scatter.add.f32 @!p1 [tilespmem:s26], [sflag:$0x1], $0x80, s24, s23, $0xb8;
	[tilespmem:$0x11100] =	vst v63  }
0x8c: {  	_ =	swait.ge @!p1 [sflag:s25], $0x1000  }
0x8d: {  	[sflag:s25] =	ssyncset.done @!p1 $0x0  }
0x8e: {  	s29 =	sshll.u32 s2, $0x6;
	[sflag:s25] =	ssyncadd.s32 @!p1 $0xFFFFF000  }
0x8f: {  	s30 =	sshrl.u32 s5, $0x3;
	s23 =	sor.u32 $0x1C01, s29;
	[bflag:$0x0] =	sbarrier.arrive $0xFFFF  }
0x90: {  	[hbm:s9], [sflag:s23] =	dma.local [spmem:s30], $0x400  }
0x91: {  	s22 =	sadd.s32 $0x1, s22;
	_ =	swait.ge [sflag:s17], $0x400  }
0x92: {  	p2 =	sne.s32 s22, s11;
	[sflag:s17] =	ssyncset.done $0x0  }
.Ltmp4:
0x93: {  	s31 =	sshrl.u32 s6, $0x3;
	[sflag:s17] =	ssyncadd.s32 $0xFFFFFC00;
	(pc) =	sbr.rel @p2 .LBB2_1-.Ltmp4, $4  }
0x94: {  	[hbm:s10], [sflag:s23] =	dma.local [spmem:s31], $0x400  }
0x95: {  	_ =	swait.ge [sflag:s17], $0x400  }
0x96: {  	[sflag:s17] =	ssyncset.done $0x0  }
0x97: {  	[sflag:s17] =	ssyncadd.s32 $0xFFFFFC00  }
0x98: {  	_ =	sfence.sel $0x180000  }
0x99: {  	[bflag:$0x0] =	sbarrier.arrive $0xFFFF  }
0x9a: {  	p0 =	sne.s32 s2, $0x0;
	_ =	strace $0x90000047  }
0x9b: {  	s0 =	sadd.s32 @!p0 $0x100000, s0;
	[bflag:$0x2] =	sbarrier.arrive $0xFFFF  }
0x9c: {  	[sflag:s0] =	ssyncadd.tile.s32 @!p0 $0x1;
	_ =	shalt  }
.Lfunc_end2:
_tile_overlayer_lowered:
.L_overlay_start_2:
0x9d: {  	(tag) =	ssettag $0x2  }
0x9e: {  	s0 =	rddreg [dreg:$0x0];
	s2 =	stileid.u32  }
0x9f: {  	s1 =	rddreg [dreg:$0x1];
	p0 =	sne.s32 s2, $0x0  }
0xa0: {  	s3 =	rddreg [dreg:$0x2];
	[bflag:$0x3] =	sbarrier.arrive $0xFFFF;
	s2 =	simm.s32 @!p0 $0x1C01  }
0xa1: {  	[timem:s3], [sflag:s2] =	dma.local @!p0 [hbm:s0], s1  }
0xa2: {  	s0 =	simm.s32 @!p0 $0x1  }
0xa3: {  	_ =	swait.ge @!p0 [sflag:s0], s1  }
0xa4: {  	s1 =	ssub.s32 @!p0 $0x0, s1;
	[sflag:s0] =	ssyncset.done @!p0 $0x0  }
0xa5: {  	[sflag:s0] =	ssyncadd.s32 @!p0 s1  }
0xa6: {  	[bflag:$0x3] =	sbarrier.arrive $0xFFFF  }
0xa7: {  	_ =	shalt  }

</sc_bundles>
